<compile_context>
chip_gen: v7x
topology: tpu7x:2x2x1
jax: 0.10.2.dev20260603
libtpu: 0.0.44.dev20260713+nightly
codegen_flags: <defaults>
</compile_context>

<pallas_src>
import functools

import jax
import jax.numpy as jnp
from jax import lax
from jax.experimental import pallas as pl
from jax.experimental.pallas import tpu as pltpu
from jax.experimental.pallas import tpu_sc as plsc

NC = 2
NS = 16
NW = NC * NS


def _sc_gather_build(B, S, P, V, D):
    tokens = B * S
    tpw = tokens // NW
    ck = 56
    sizes = [ck] * (tpw // ck)
    if tpw % ck:
        sizes.append(tpw % ck)
    tail = sizes[-1] if sizes[-1] != ck else None
    wpb = NW // B
    p8 = 8 * ((P + 7) // 8)
    mesh = plsc.VectorSubcoreMesh(core_axis_name="c", subcore_axis_name="s")

    @functools.partial(
        pl.kernel,
        mesh=mesh,
        out_type=jax.ShapeDtypeStruct(((P + S) * B + 8, D), jnp.float32),
        scratch_types=[
            pltpu.VMEM((ck,), jnp.int32),
            pltpu.VMEM((ck,), jnp.int32),
            pltpu.VMEM((ck,), jnp.int32),
            pltpu.VMEM((ck,), jnp.int32),
            pltpu.VMEM((ck, D), jnp.float32),
            pltpu.VMEM((ck, D), jnp.float32),
            pltpu.VMEM((p8,), jnp.int32),
            pltpu.SemaphoreType.DMA,
            pltpu.SemaphoreType.DMA,
            pltpu.SemaphoreType.DMA,
            pltpu.SemaphoreType.DMA,
        ],
        compiler_params=pltpu.CompilerParams(use_tc_tiling_on_sc=True),
    )
    def sc_gather(ids_hbm, table_hbm, sp_hbm, dpos_hbm, pidx_hbm, x_hbm,
                  idx_a, idx_b, didx_a, didx_b, rows_a, rows_b, pidx_v,
                  sem_ga, sem_gb, sem_sa, sem_sb):
        wid = lax.axis_index("s") * NC + lax.axis_index("c")
        idx = [idx_a, idx_b]
        didx = [didx_a, didx_b]
        rows = [rows_a, rows_b]
        sem_g = [sem_ga, sem_gb]
        sem_s = [sem_sa, sem_sb]

        @pl.when(wid % wpb == 0)
        def _():
            batch = wid // wpb
            pltpu.sync_copy(sp_hbm, rows_a.at[pl.ds(0, p8)])
            pltpu.sync_copy(pidx_hbm.at[batch], pidx_v)
            pltpu.async_copy(rows_a.at[pl.ds(0, p8)], x_hbm.at[pidx_v],
                             sem_sa).wait()

        src_base = wid * tpw

        def bufs(k, sz):
            par = k % 2
            if sz == ck:
                return (idx[par], didx[par], rows[par], sem_g[par],
                        sem_s[par])
            return (idx[par].at[pl.ds(0, sz)], didx[par].at[pl.ds(0, sz)],
                    rows[par].at[pl.ds(0, sz)], sem_g[par], sem_s[par])

        offs = []
        o = 0
        for sz in sizes:
            offs.append(o)
            o += sz

        i0, d0, _, _, _ = bufs(0, sizes[0])
        pltpu.sync_copy(ids_hbm.at[pl.ds(src_base, sizes[0])], i0)
        pltpu.sync_copy(dpos_hbm.at[pl.ds(src_base, sizes[0])], d0)

        h_s = [None, None]
        for k, (off, sz) in enumerate(zip(offs, sizes)):
            par = k % 2
            i_r, d_r, r_r, sg, ss = bufs(k, sz)
            h_g = pltpu.async_copy(table_hbm.at[i_r], r_r, sg)
            if k + 1 < len(sizes):
                npar = (k + 1) % 2
                if h_s[npar] is not None:
                    h_s[npar].wait()
                    h_s[npar] = None
                ni, nd, _, _, _ = bufs(k + 1, sizes[k + 1])
                nxt = offs[k + 1]
                pltpu.sync_copy(
                    ids_hbm.at[pl.ds(src_base + nxt, sizes[k + 1])], ni)
                pltpu.sync_copy(
                    dpos_hbm.at[pl.ds(src_base + nxt, sizes[k + 1])], nd)
            h_g.wait()
            h_s[par] = pltpu.async_copy(r_r, x_hbm.at[d_r], ss)
        for h in h_s:
            if h is not None:
                h.wait()

    return sc_gather


def _tc_matmul_build(B, R, D, tile):
    lane = 128
    nt = D // lane
    rt = tile // B
    nj = (R + rt - 1) // rt

    def body(x_ref, w_ref, b_ref, m_ref, o_ref):
        acc = jnp.dot(x_ref[...].astype(jnp.bfloat16),
                      w_ref[...].astype(jnp.bfloat16),
                      preferred_element_type=jnp.float32)
        h = jnp.tanh(acc + b_ref[...]) * m_ref[...]
        o_ref[...] = h.reshape(rt, B, nt, lane).transpose(0, 2, 1, 3).reshape(
            rt, nt * B, lane)

    return pl.pallas_call(
        body,
        grid=(nj,),
        in_specs=[
            pl.BlockSpec((tile, D), lambda j: (j, 0)),
            pl.BlockSpec((D, D), lambda j: (0, 0)),
            pl.BlockSpec((1, D), lambda j: (0, 0)),
            pl.BlockSpec((tile, 1), lambda j: (j, 0)),
        ],
        out_specs=pl.BlockSpec((rt, nt * B, lane), lambda j: (j, 0, 0)),
        out_shape=jax.ShapeDtypeStruct((R, nt * B, lane), jnp.float32),
        compiler_params=pltpu.CompilerParams(
            dimension_semantics=("arbitrary",),
        ),
    )


def kernel(input_ids, attention_mask, token_type_ids, word_embeddings,
           soft_prompt, W, b):
    B, S = input_ids.shape
    V, D = word_embeddings.shape
    P = soft_prompt.shape[0]
    p8 = 8 * ((P + 7) // 8)

    ids = input_ids.reshape(-1).astype(jnp.int32)
    sp_pad = jnp.pad(soft_prompt, ((0, p8 - P), (0, 0)))
    dump = (P + S) * B
    dpos = ((P + jnp.arange(S, dtype=jnp.int32))[None, :] * B
            + jnp.arange(B, dtype=jnp.int32)[:, None]).reshape(-1)
    prow = jnp.arange(p8, dtype=jnp.int32)[None, :]
    pidx = jnp.where(prow < P,
                     prow * B + jnp.arange(B, dtype=jnp.int32)[:, None],
                     dump)

    sc_gather = _sc_gather_build(B, S, P, V, D)
    x = sc_gather(ids, word_embeddings, sp_pad, dpos, pidx)

    mask = jnp.concatenate(
        [jnp.ones((B, P), dtype=attention_mask.dtype), attention_mask], axis=1
    ).astype(jnp.float32).T.reshape((P + S) * B, 1)

    tc = _tc_matmul_build(B, P + S, D, 512)
    out3 = tc(x, W, b.reshape(1, D), mask)
    lane = 128
    return (out3.reshape(P + S, D // lane, B, lane)
            .transpose(2, 0, 1, 3).reshape(B, P + S, D))

# --- scband reference (transcript-rebuilt; emitter-appended) ---
"""Pipeline reference for scband-soft-prompt-wrapper-16183436771760 (READ-ONLY COPY).

The authoritative reference and input builder live on the scoring server;
editing this copy changes nothing except your own understanding.
"""

import jax, jax.numpy as jnp
import numpy as np

B, S, V, D, P = 4, 2048, 30522, 1024, 20

def setup_inputs(seed: int = 0) -> dict:
    key = jax.random.key(seed)
    ks = jax.random.split(key, 6)
    input_ids = jax.random.randint(ks[0], (B, S), 0, V)
    attention_mask = jnp.ones((B, S), dtype=jnp.float32)
    token_type_ids = jnp.zeros((B, S), dtype=jnp.int32)
    # learned params: word embedding table of base model, soft prompt, base-model dense layer
    word_embeddings = jax.random.normal(ks[1], (V, D), dtype=jnp.float32) * 0.02
    soft_prompt = jax.random.normal(ks[2], (P, D), dtype=jnp.float32)
    W = jax.random.normal(ks[3], (D, D), dtype=jnp.float32) * 0.02
    b = jnp.zeros((D,), dtype=jnp.float32)
    return {"input_ids": input_ids, "attention_mask": attention_mask, "token_type_ids": token_type_ids,
            "word_embeddings": word_embeddings, "soft_prompt": soft_prompt, "W": W, "b": b}

def reference(input_ids, attention_mask, token_type_ids, word_embeddings, soft_prompt, W, b):
    batch_size = input_ids.shape[0]
    n_prompt = soft_prompt.shape[0]
    # word embedding lookup (gather)
    inputs_embeds = jnp.take(word_embeddings, input_ids, axis=0)
    # expand soft prompt across batch and prepend
    prompt_batch = jnp.broadcast_to(soft_prompt[None, :, :], (batch_size, n_prompt, soft_prompt.shape[1]))
    inputs_embeds = jnp.concatenate([prompt_batch, inputs_embeds], axis=1)
    # extend attention mask with ones for prompt tokens
    prompt_mask = jnp.ones((batch_size, n_prompt), dtype=attention_mask.dtype)
    attention_mask = jnp.concatenate([prompt_mask, attention_mask], axis=1)
    # extend token type ids with zeros for prompt tokens
    prompt_tt = jnp.zeros((batch_size, n_prompt), dtype=token_type_ids.dtype)
    token_type_ids = jnp.concatenate([prompt_tt, token_type_ids], axis=1)
    # base model stand-in: dense transform over extended embeddings, masked by attention
    h = jnp.tanh(inputs_embeds @ W + b)
    out = h * attention_mask[..., None]
    return out

if __name__ == "__main__":
    import jax
    _d = setup_inputs()
    print(jax.jit(kernel)(*tuple(_d.values())))

</pallas_src>

<mosaic_0001>
#map = affine_map<(d0, d1) -> (0)>
#map1 = affine_map<(d0, d1) -> (0, 0)>
module attributes {stable_mosaic.version = 14 : i64} {
  func.func @sc_gather(%arg0: i32, %arg1: i32, %arg2: memref<8192xi32, #tpu.memory_space<hbm>>, %arg3: memref<30522x1024xf32, #tpu.memory_space<hbm>>, %arg4: memref<24x1024xf32, #tpu.memory_space<hbm>>, %arg5: memref<8192xi32, #tpu.memory_space<hbm>>, %arg6: memref<4x24xi32, #tpu.memory_space<hbm>>, %arg7: memref<8280x1024xf32, #tpu.memory_space<hbm>>, %arg8: memref<56xi32, #tpu.memory_space<vmem>>, %arg9: memref<56xi32, #tpu.memory_space<vmem>>, %arg10: memref<56xi32, #tpu.memory_space<vmem>>, %arg11: memref<56xi32, #tpu.memory_space<vmem>>, %arg12: memref<56x1024xf32, #tpu.memory_space<vmem>>, %arg13: memref<56x1024xf32, #tpu.memory_space<vmem>>, %arg14: memref<24xi32, #tpu.memory_space<vmem>>, %arg15: memref<!tpu.dma_semaphore, #tpu.memory_space<semaphore_mem>>, %arg16: memref<!tpu.dma_semaphore, #tpu.memory_space<semaphore_mem>>, %arg17: memref<!tpu.dma_semaphore, #tpu.memory_space<semaphore_mem>>, %arg18: memref<!tpu.dma_semaphore, #tpu.memory_space<semaphore_mem>>) attributes {dimension_semantics = [#tpu.dimension_semantics<core_parallel>, #tpu.dimension_semantics<subcore_parallel>], iteration_bounds = array<i64: 2, 16>, scalar_prefetch = 0 : i64, scratch_operands = 11 : i64, tpu.core_type = #tpu.core_type<sc_vector_subcore>, window_params = [{transform_indices = #map}, {transform_indices = #map1}, {transform_indices = #map1}, {transform_indices = #map}, {transform_indices = #map1}, {transform_indices = #map1}]} {
    %mul3A = arith.constant 2 : i32
    %mul3A_0 = arith.muli %arg1, %mul3A : i32
    %add3A = arith.addi %mul3A_0, %arg0 : i32
    %jit3A = arith.constant 8 : i32
    %eq3A = arith.constant 0 : i32
    %eq3A_1 = arith.cmpi eq, %jit3A, %eq3A : i32
    %jit3A_2 = arith.constant 1 : i32
    %select_n3A = arith.select %eq3A_1, %jit3A_2, %jit3A : i32
    %rem3A = arith.remsi %add3A, %select_n3A : i32
    %ne3A = arith.constant 0 : i32
    %ne3A_3 = arith.cmpi ne, %rem3A, %ne3A : i32
    %lt3A = arith.constant 0 : i32
    %lt3A_4 = arith.cmpi slt, %rem3A, %lt3A : i32
    %lt3A_5 = arith.constant 0 : i32
    %lt3A_6 = arith.cmpi slt, %select_n3A, %lt3A_5 : i32
    %ne3A_7 = arith.xori %lt3A_4, %lt3A_6 : i1
    %and3A = arith.andi %ne3A_7, %ne3A_3 : i1
    %add3A_8 = arith.addi %rem3A, %select_n3A : i32
    %select_n3A_9 = arith.select %and3A, %add3A_8, %rem3A : i32
    %eq3A_10 = arith.constant 0 : i32
    %eq3A_11 = arith.cmpi eq, %select_n3A_9, %eq3A_10 : i32
    %convert_element_type3A = arith.extui %eq3A_11 : i1 to i32
    %cond3A = arith.constant 0 : i32
    %cond3A_12 = arith.cmpi ne, %convert_element_type3A, %cond3A : i32
    scf.if %cond3A_12 {
      %jit3A_109 = arith.constant 8 : i32
      %div3A = arith.divsi %add3A, %jit3A_109 : i32
      %sign3A = arith.constant 0 : i32
      %sign3A_110 = arith.cmpi sgt, %add3A, %sign3A : i32
      %sign3A_111 = arith.extui %sign3A_110 : i1 to i32
      %sign3A_112 = arith.constant 0 : i32
      %sign3A_113 = arith.cmpi slt, %add3A, %sign3A_112 : i32
      %sign3A_114 = arith.extui %sign3A_113 : i1 to i32
      %sign3A_115 = arith.subi %sign3A_111, %sign3A_114 : i32
      %sign3A_116 = arith.constant 0 : i32
      %sign3A_117 = arith.cmpi sgt, %jit3A_109, %sign3A_116 : i32
      %sign3A_118 = arith.extui %sign3A_117 : i1 to i32
      %sign3A_119 = arith.constant 0 : i32
      %sign3A_120 = arith.cmpi slt, %jit3A_109, %sign3A_119 : i32
      %sign3A_121 = arith.extui %sign3A_120 : i1 to i32
      %sign3A_122 = arith.subi %sign3A_118, %sign3A_121 : i32
      %ne3A_123 = arith.cmpi ne, %sign3A_115, %sign3A_122 : i32
      %rem3A_124 = arith.remsi %add3A, %jit3A_109 : i32
      %ne3A_125 = arith.constant 0 : i32
      %ne3A_126 = arith.cmpi ne, %rem3A_124, %ne3A_125 : i32
      %and3A_127 = arith.andi %ne3A_123, %ne3A_126 : i1
      %sub3A = arith.constant 1 : i32
      %sub3A_128 = arith.subi %div3A, %sub3A : i32
      %select_n3A_129 = arith.select %and3A_127, %sub3A_128, %div3A : i32
      "tpu.region"() ({
        %run_scoped3A = tpu.sem_alloc : memref<!tpu.dma_semaphore, #tpu.memory_space<semaphore_mem>>
        %dma_start3A_142 = arith.constant 0 : i32
        %dma_start3A_143 = arith.constant 0 : i32
        %dma_start3A_144 = tpu.memref_slice %arg12[%dma_start3A_142, %dma_start3A_143] : memref<56x1024xf32, #tpu.memory_space<vmem>> -> memref<24x1024xf32, #tpu.memory_space<vmem>>
        %dma_start3A_145 = arith.constant 0 : i32
        %dma_start3A_146 = arith.constant 0 : i32
        %dma_start3A_147 = tpu.memref_slice %arg12[%dma_start3A_145, %dma_start3A_146] : memref<56x1024xf32, #tpu.memory_space<vmem>> -> memref<24x1024xf32, #tpu.memory_space<vmem>>
        tpu.enqueue_dma source(%arg4 : memref<24x1024xf32, #tpu.memory_space<hbm>>) target(%dma_start3A_147 : memref<24x1024xf32, #tpu.memory_space<vmem>>) target_semaphore(%run_scoped3A : memref<!tpu.dma_semaphore, #tpu.memory_space<semaphore_mem>>)
        %dma_wait3A_148 = arith.constant 0 : i32
        %dma_wait3A_149 = arith.constant 0 : i32
        %dma_wait3A_150 = tpu.memref_slice %arg12[%dma_wait3A_148, %dma_wait3A_149] : memref<56x1024xf32, #tpu.memory_space<vmem>> -> memref<24x1024xf32, #tpu.memory_space<vmem>>
        %dma_wait3A_151 = arith.constant 0 : i32
        %dma_wait3A_152 = arith.constant 0 : i32
        %dma_wait3A_153 = tpu.memref_slice %arg12[%dma_wait3A_151, %dma_wait3A_152] : memref<56x1024xf32, #tpu.memory_space<vmem>> -> memref<24x1024xf32, #tpu.memory_space<vmem>>
        tpu.wait_dma2 semaphore(%run_scoped3A : memref<!tpu.dma_semaphore, #tpu.memory_space<semaphore_mem>>) src(%arg4 : memref<24x1024xf32, #tpu.memory_space<hbm>>) dst(%dma_wait3A_153 : memref<24x1024xf32, #tpu.memory_space<vmem>>)
        tpu.yield
      }) : () -> ()
      "tpu.region"() ({
        %run_scoped3A = tpu.sem_alloc : memref<!tpu.dma_semaphore, #tpu.memory_space<semaphore_mem>>
        %dma_start3A_142 = arith.constant 0 : i32
        %dma_start3A_143 = tpu.memref_slice %arg6[%select_n3A_129, %dma_start3A_142] : memref<4x24xi32, #tpu.memory_space<hbm>> -> memref<1x24xi32, #tpu.memory_space<hbm>>
        %dma_start3A_144 = tpu.memref_squeeze %dma_start3A_143 : memref<1x24xi32, #tpu.memory_space<hbm>> -> memref<24xi32, #tpu.memory_space<hbm>>
        %dma_start3A_145 = arith.constant 0 : i32
        %dma_start3A_146 = tpu.memref_slice %arg6[%select_n3A_129, %dma_start3A_145] : memref<4x24xi32, #tpu.memory_space<hbm>> -> memref<1x24xi32, #tpu.memory_space<hbm>>
        %dma_start3A_147 = tpu.memref_squeeze %dma_start3A_146 : memref<1x24xi32, #tpu.memory_space<hbm>> -> memref<24xi32, #tpu.memory_space<hbm>>
        tpu.enqueue_dma source(%dma_start3A_147 : memref<24xi32, #tpu.memory_space<hbm>>) target(%arg14 : memref<24xi32, #tpu.memory_space<vmem>>) target_semaphore(%run_scoped3A : memref<!tpu.dma_semaphore, #tpu.memory_space<semaphore_mem>>)
        %dma_wait3A_148 = arith.constant 0 : i32
        %dma_wait3A_149 = tpu.memref_slice %arg6[%select_n3A_129, %dma_wait3A_148] : memref<4x24xi32, #tpu.memory_space<hbm>> -> memref<1x24xi32, #tpu.memory_space<hbm>>
        %dma_wait3A_150 = tpu.memref_squeeze %dma_wait3A_149 : memref<1x24xi32, #tpu.memory_space<hbm>> -> memref<24xi32, #tpu.memory_space<hbm>>
        %dma_wait3A_151 = arith.constant 0 : i32
        %dma_wait3A_152 = tpu.memref_slice %arg6[%select_n3A_129, %dma_wait3A_151] : memref<4x24xi32, #tpu.memory_space<hbm>> -> memref<1x24xi32, #tpu.memory_space<hbm>>
        %dma_wait3A_153 = tpu.memref_squeeze %dma_wait3A_152 : memref<1x24xi32, #tpu.memory_space<hbm>> -> memref<24xi32, #tpu.memory_space<hbm>>
        tpu.wait_dma2 semaphore(%run_scoped3A : memref<!tpu.dma_semaphore, #tpu.memory_space<semaphore_mem>>) src(%dma_wait3A_153 : memref<24xi32, #tpu.memory_space<hbm>>) dst(%arg14 : memref<24xi32, #tpu.memory_space<vmem>>)
        tpu.yield
      }) : () -> ()
      %dma_start3A_130 = arith.constant 0 : i32
      %dma_start3A_131 = arith.constant 0 : i32
      %dma_start3A_132 = tpu.memref_slice %arg12[%dma_start3A_130, %dma_start3A_131] : memref<56x1024xf32, #tpu.memory_space<vmem>> -> memref<24x1024xf32, #tpu.memory_space<vmem>>
      %dma_start3A_133 = arith.constant 0 : i32
      %dma_start3A_134 = arith.constant 0 : i32
      %dma_start3A_135 = tpu.memref_slice %arg7[%dma_start3A_133, %dma_start3A_134] : memref<8280x1024xf32, #tpu.memory_space<hbm>> -> memref<8280x1024xf32, #tpu.memory_space<hbm>>
      tpu.enqueue_indirect_dma source(%dma_start3A_132 : memref<24x1024xf32, #tpu.memory_space<vmem>>) target(%dma_start3A_135 : memref<8280x1024xf32, #tpu.memory_space<hbm>>) offsets(%arg14 : memref<24xi32, #tpu.memory_space<vmem>>) semaphore(%arg17 : memref<!tpu.dma_semaphore, #tpu.memory_space<semaphore_mem>>)
      %dma_wait3A_136 = arith.constant 0 : i32
      %dma_wait3A_137 = arith.constant 0 : i32
      %dma_wait3A_138 = tpu.memref_slice %arg12[%dma_wait3A_136, %dma_wait3A_137] : memref<56x1024xf32, #tpu.memory_space<vmem>> -> memref<24x1024xf32, #tpu.memory_space<vmem>>
      %dma_wait3A_139 = arith.constant 0 : i32
      %dma_wait3A_140 = arith.constant 0 : i32
      %dma_wait3A_141 = tpu.memref_slice %arg7[%dma_wait3A_139, %dma_wait3A_140] : memref<8280x1024xf32, #tpu.memory_space<hbm>> -> memref<8280x1024xf32, #tpu.memory_space<hbm>>
      tpu.wait_indirect_dma semaphore(%arg17 : memref<!tpu.dma_semaphore, #tpu.memory_space<semaphore_mem>>) src(%dma_wait3A_138 : memref<24x1024xf32, #tpu.memory_space<vmem>>) dst(%dma_wait3A_141 : memref<8280x1024xf32, #tpu.memory_space<hbm>>)
    } else {
    }
    %mul3A_13 = arith.constant 256 : i32
    %mul3A_14 = arith.muli %add3A, %mul3A_13 : i32
    "tpu.region"() ({
      %run_scoped3A = tpu.sem_alloc : memref<!tpu.dma_semaphore, #tpu.memory_space<semaphore_mem>>
      %dma_start3A_109 = tpu.memref_slice %arg2[%mul3A_14] : memref<8192xi32, #tpu.memory_space<hbm>> -> memref<56xi32, #tpu.memory_space<hbm>>
      %dma_start3A_110 = tpu.memref_slice %arg2[%mul3A_14] : memref<8192xi32, #tpu.memory_space<hbm>> -> memref<56xi32, #tpu.memory_space<hbm>>
      tpu.enqueue_dma source(%dma_start3A_110 : memref<56xi32, #tpu.memory_space<hbm>>) target(%arg8 : memref<56xi32, #tpu.memory_space<vmem>>) target_semaphore(%run_scoped3A : memref<!tpu.dma_semaphore, #tpu.memory_space<semaphore_mem>>)
      %dma_wait3A_111 = tpu.memref_slice %arg2[%mul3A_14] : memref<8192xi32, #tpu.memory_space<hbm>> -> memref<56xi32, #tpu.memory_space<hbm>>
      %dma_wait3A_112 = tpu.memref_slice %arg2[%mul3A_14] : memref<8192xi32, #tpu.memory_space<hbm>> -> memref<56xi32, #tpu.memory_space<hbm>>
      tpu.wait_dma2 semaphore(%run_scoped3A : memref<!tpu.dma_semaphore, #tpu.memory_space<semaphore_mem>>) src(%dma_wait3A_112 : memref<56xi32, #tpu.memory_space<hbm>>) dst(%arg8 : memref<56xi32, #tpu.memory_space<vmem>>)
      tpu.yield
    }) : () -> ()
    "tpu.region"() ({
      %run_scoped3A = tpu.sem_alloc : memref<!tpu.dma_semaphore, #tpu.memory_space<semaphore_mem>>
      %dma_start3A_109 = tpu.memref_slice %arg5[%mul3A_14] : memref<8192xi32, #tpu.memory_space<hbm>> -> memref<56xi32, #tpu.memory_space<hbm>>
      %dma_start3A_110 = tpu.memref_slice %arg5[%mul3A_14] : memref<8192xi32, #tpu.memory_space<hbm>> -> memref<56xi32, #tpu.memory_space<hbm>>
      tpu.enqueue_dma source(%dma_start3A_110 : memref<56xi32, #tpu.memory_space<hbm>>) target(%arg10 : memref<56xi32, #tpu.memory_space<vmem>>) target_semaphore(%run_scoped3A : memref<!tpu.dma_semaphore, #tpu.memory_space<semaphore_mem>>)
      %dma_wait3A_111 = tpu.memref_slice %arg5[%mul3A_14] : memref<8192xi32, #tpu.memory_space<hbm>> -> memref<56xi32, #tpu.memory_space<hbm>>
      %dma_wait3A_112 = tpu.memref_slice %arg5[%mul3A_14] : memref<8192xi32, #tpu.memory_space<hbm>> -> memref<56xi32, #tpu.memory_space<hbm>>
      tpu.wait_dma2 semaphore(%run_scoped3A : memref<!tpu.dma_semaphore, #tpu.memory_space<semaphore_mem>>) src(%dma_wait3A_112 : memref<56xi32, #tpu.memory_space<hbm>>) dst(%arg10 : memref<56xi32, #tpu.memory_space<vmem>>)
      tpu.yield
    }) : () -> ()
    %dma_start3A = arith.constant 0 : i32
    %dma_start3A_15 = arith.constant 0 : i32
    %dma_start3A_16 = tpu.memref_slice %arg3[%dma_start3A, %dma_start3A_15] : memref<30522x1024xf32, #tpu.memory_space<hbm>> -> memref<30522x1024xf32, #tpu.memory_space<hbm>>
    tpu.enqueue_indirect_dma source(%dma_start3A_16 : memref<30522x1024xf32, #tpu.memory_space<hbm>>) target(%arg12 : memref<56x1024xf32, #tpu.memory_space<vmem>>) offsets(%arg8 : memref<56xi32, #tpu.memory_space<vmem>>) semaphore(%arg15 : memref<!tpu.dma_semaphore, #tpu.memory_space<semaphore_mem>>)
    %add3A_17 = arith.constant 56 : i32
    %add3A_18 = arith.addi %mul3A_14, %add3A_17 : i32
    "tpu.region"() ({
      %run_scoped3A = tpu.sem_alloc : memref<!tpu.dma_semaphore, #tpu.memory_space<semaphore_mem>>
      %dma_start3A_109 = tpu.memref_slice %arg2[%add3A_18] : memref<8192xi32, #tpu.memory_space<hbm>> -> memref<56xi32, #tpu.memory_space<hbm>>
      %dma_start3A_110 = tpu.memref_slice %arg2[%add3A_18] : memref<8192xi32, #tpu.memory_space<hbm>> -> memref<56xi32, #tpu.memory_space<hbm>>
      tpu.enqueue_dma source(%dma_start3A_110 : memref<56xi32, #tpu.memory_space<hbm>>) target(%arg9 : memref<56xi32, #tpu.memory_space<vmem>>) target_semaphore(%run_scoped3A : memref<!tpu.dma_semaphore, #tpu.memory_space<semaphore_mem>>)
      %dma_wait3A_111 = tpu.memref_slice %arg2[%add3A_18] : memref<8192xi32, #tpu.memory_space<hbm>> -> memref<56xi32, #tpu.memory_space<hbm>>
      %dma_wait3A_112 = tpu.memref_slice %arg2[%add3A_18] : memref<8192xi32, #tpu.memory_space<hbm>> -> memref<56xi32, #tpu.memory_space<hbm>>
      tpu.wait_dma2 semaphore(%run_scoped3A : memref<!tpu.dma_semaphore, #tpu.memory_space<semaphore_mem>>) src(%dma_wait3A_112 : memref<56xi32, #tpu.memory_space<hbm>>) dst(%arg9 : memref<56xi32, #tpu.memory_space<vmem>>)
      tpu.yield
    }) : () -> ()
    %add3A_19 = arith.constant 56 : i32
    %add3A_20 = arith.addi %mul3A_14, %add3A_19 : i32
    "tpu.region"() ({
      %run_scoped3A = tpu.sem_alloc : memref<!tpu.dma_semaphore, #tpu.memory_space<semaphore_mem>>
      %dma_start3A_109 = tpu.memref_slice %arg5[%add3A_20] : memref<8192xi32, #tpu.memory_space<hbm>> -> memref<56xi32, #tpu.memory_space<hbm>>
      %dma_start3A_110 = tpu.memref_slice %arg5[%add3A_20] : memref<8192xi32, #tpu.memory_space<hbm>> -> memref<56xi32, #tpu.memory_space<hbm>>
      tpu.enqueue_dma source(%dma_start3A_110 : memref<56xi32, #tpu.memory_space<hbm>>) target(%arg11 : memref<56xi32, #tpu.memory_space<vmem>>) target_semaphore(%run_scoped3A : memref<!tpu.dma_semaphore, #tpu.memory_space<semaphore_mem>>)
      %dma_wait3A_111 = tpu.memref_slice %arg5[%add3A_20] : memref<8192xi32, #tpu.memory_space<hbm>> -> memref<56xi32, #tpu.memory_space<hbm>>
      %dma_wait3A_112 = tpu.memref_slice %arg5[%add3A_20] : memref<8192xi32, #tpu.memory_space<hbm>> -> memref<56xi32, #tpu.memory_space<hbm>>
      tpu.wait_dma2 semaphore(%run_scoped3A : memref<!tpu.dma_semaphore, #tpu.memory_space<semaphore_mem>>) src(%dma_wait3A_112 : memref<56xi32, #tpu.memory_space<hbm>>) dst(%arg11 : memref<56xi32, #tpu.memory_space<vmem>>)
      tpu.yield
    }) : () -> ()
    %dma_wait3A = arith.constant 0 : i32
    %dma_wait3A_21 = arith.constant 0 : i32
    %dma_wait3A_22 = tpu.memref_slice %arg3[%dma_wait3A, %dma_wait3A_21] : memref<30522x1024xf32, #tpu.memory_space<hbm>> -> memref<30522x1024xf32, #tpu.memory_space<hbm>>
    tpu.wait_indirect_dma semaphore(%arg15 : memref<!tpu.dma_semaphore, #tpu.memory_space<semaphore_mem>>) src(%dma_wait3A_22 : memref<30522x1024xf32, #tpu.memory_space<hbm>>) dst(%arg12 : memref<56x1024xf32, #tpu.memory_space<vmem>>)
    %dma_start3A_23 = arith.constant 0 : i32
    %dma_start3A_24 = arith.constant 0 : i32
    %dma_start3A_25 = tpu.memref_slice %arg7[%dma_start3A_23, %dma_start3A_24] : memref<8280x1024xf32, #tpu.memory_space<hbm>> -> memref<8280x1024xf32, #tpu.memory_space<hbm>>
    tpu.enqueue_indirect_dma source(%arg12 : memref<56x1024xf32, #tpu.memory_space<vmem>>) target(%dma_start3A_25 : memref<8280x1024xf32, #tpu.memory_space<hbm>>) offsets(%arg10 : memref<56xi32, #tpu.memory_space<vmem>>) semaphore(%arg17 : memref<!tpu.dma_semaphore, #tpu.memory_space<semaphore_mem>>)
    %dma_start3A_26 = arith.constant 0 : i32
    %dma_start3A_27 = arith.constant 0 : i32
    %dma_start3A_28 = tpu.memref_slice %arg3[%dma_start3A_26, %dma_start3A_27] : memref<30522x1024xf32, #tpu.memory_space<hbm>> -> memref<30522x1024xf32, #tpu.memory_space<hbm>>
    tpu.enqueue_indirect_dma source(%dma_start3A_28 : memref<30522x1024xf32, #tpu.memory_space<hbm>>) target(%arg13 : memref<56x1024xf32, #tpu.memory_space<vmem>>) offsets(%arg9 : memref<56xi32, #tpu.memory_space<vmem>>) semaphore(%arg16 : memref<!tpu.dma_semaphore, #tpu.memory_space<semaphore_mem>>)
    %dma_wait3A_29 = arith.constant 0 : i32
    %dma_wait3A_30 = arith.constant 0 : i32
    %dma_wait3A_31 = tpu.memref_slice %arg7[%dma_wait3A_29, %dma_wait3A_30] : memref<8280x1024xf32, #tpu.memory_space<hbm>> -> memref<8280x1024xf32, #tpu.memory_space<hbm>>
    tpu.wait_indirect_dma semaphore(%arg17 : memref<!tpu.dma_semaphore, #tpu.memory_space<semaphore_mem>>) src(%arg12 : memref<56x1024xf32, #tpu.memory_space<vmem>>) dst(%dma_wait3A_31 : memref<8280x1024xf32, #tpu.memory_space<hbm>>)
    %add3A_32 = arith.constant 112 : i32
    %add3A_33 = arith.addi %mul3A_14, %add3A_32 : i32
    "tpu.region"() ({
      %run_scoped3A = tpu.sem_alloc : memref<!tpu.dma_semaphore, #tpu.memory_space<semaphore_mem>>
      %dma_start3A_109 = tpu.memref_slice %arg2[%add3A_33] : memref<8192xi32, #tpu.memory_space<hbm>> -> memref<56xi32, #tpu.memory_space<hbm>>
      %dma_start3A_110 = tpu.memref_slice %arg2[%add3A_33] : memref<8192xi32, #tpu.memory_space<hbm>> -> memref<56xi32, #tpu.memory_space<hbm>>
      tpu.enqueue_dma source(%dma_start3A_110 : memref<56xi32, #tpu.memory_space<hbm>>) target(%arg8 : memref<56xi32, #tpu.memory_space<vmem>>) target_semaphore(%run_scoped3A : memref<!tpu.dma_semaphore, #tpu.memory_space<semaphore_mem>>)
      %dma_wait3A_111 = tpu.memref_slice %arg2[%add3A_33] : memref<8192xi32, #tpu.memory_space<hbm>> -> memref<56xi32, #tpu.memory_space<hbm>>
      %dma_wait3A_112 = tpu.memref_slice %arg2[%add3A_33] : memref<8192xi32, #tpu.memory_space<hbm>> -> memref<56xi32, #tpu.memory_space<hbm>>
      tpu.wait_dma2 semaphore(%run_scoped3A : memref<!tpu.dma_semaphore, #tpu.memory_space<semaphore_mem>>) src(%dma_wait3A_112 : memref<56xi32, #tpu.memory_space<hbm>>) dst(%arg8 : memref<56xi32, #tpu.memory_space<vmem>>)
      tpu.yield
    }) : () -> ()
    %add3A_34 = arith.constant 112 : i32
    %add3A_35 = arith.addi %mul3A_14, %add3A_34 : i32
    "tpu.region"() ({
      %run_scoped3A = tpu.sem_alloc : memref<!tpu.dma_semaphore, #tpu.memory_space<semaphore_mem>>
      %dma_start3A_109 = tpu.memref_slice %arg5[%add3A_35] : memref<8192xi32, #tpu.memory_space<hbm>> -> memref<56xi32, #tpu.memory_space<hbm>>
      %dma_start3A_110 = tpu.memref_slice %arg5[%add3A_35] : memref<8192xi32, #tpu.memory_space<hbm>> -> memref<56xi32, #tpu.memory_space<hbm>>
      tpu.enqueue_dma source(%dma_start3A_110 : memref<56xi32, #tpu.memory_space<hbm>>) target(%arg10 : memref<56xi32, #tpu.memory_space<vmem>>) target_semaphore(%run_scoped3A : memref<!tpu.dma_semaphore, #tpu.memory_space<semaphore_mem>>)
      %dma_wait3A_111 = tpu.memref_slice %arg5[%add3A_35] : memref<8192xi32, #tpu.memory_space<hbm>> -> memref<56xi32, #tpu.memory_space<hbm>>
      %dma_wait3A_112 = tpu.memref_slice %arg5[%add3A_35] : memref<8192xi32, #tpu.memory_space<hbm>> -> memref<56xi32, #tpu.memory_space<hbm>>
      tpu.wait_dma2 semaphore(%run_scoped3A : memref<!tpu.dma_semaphore, #tpu.memory_space<semaphore_mem>>) src(%dma_wait3A_112 : memref<56xi32, #tpu.memory_space<hbm>>) dst(%arg10 : memref<56xi32, #tpu.memory_space<vmem>>)
      tpu.yield
    }) : () -> ()
    %dma_wait3A_36 = arith.constant 0 : i32
    %dma_wait3A_37 = arith.constant 0 : i32
    %dma_wait3A_38 = tpu.memref_slice %arg3[%dma_wait3A_36, %dma_wait3A_37] : memref<30522x1024xf32, #tpu.memory_space<hbm>> -> memref<30522x1024xf32, #tpu.memory_space<hbm>>
    tpu.wait_indirect_dma semaphore(%arg16 : memref<!tpu.dma_semaphore, #tpu.memory_space<semaphore_mem>>) src(%dma_wait3A_38 : memref<30522x1024xf32, #tpu.memory_space<hbm>>) dst(%arg13 : memref<56x1024xf32, #tpu.memory_space<vmem>>)
    %dma_start3A_39 = arith.constant 0 : i32
    %dma_start3A_40 = arith.constant 0 : i32
    %dma_start3A_41 = tpu.memref_slice %arg7[%dma_start3A_39, %dma_start3A_40] : memref<8280x1024xf32, #tpu.memory_space<hbm>> -> memref<8280x1024xf32, #tpu.memory_space<hbm>>
    tpu.enqueue_indirect_dma source(%arg13 : memref<56x1024xf32, #tpu.memory_space<vmem>>) target(%dma_start3A_41 : memref<8280x1024xf32, #tpu.memory_space<hbm>>) offsets(%arg11 : memref<56xi32, #tpu.memory_space<vmem>>) semaphore(%arg18 : memref<!tpu.dma_semaphore, #tpu.memory_space<semaphore_mem>>)
    %dma_start3A_42 = arith.constant 0 : i32
    %dma_start3A_43 = arith.constant 0 : i32
    %dma_start3A_44 = tpu.memref_slice %arg3[%dma_start3A_42, %dma_start3A_43] : memref<30522x1024xf32, #tpu.memory_space<hbm>> -> memref<30522x1024xf32, #tpu.memory_space<hbm>>
    tpu.enqueue_indirect_dma source(%dma_start3A_44 : memref<30522x1024xf32, #tpu.memory_space<hbm>>) target(%arg12 : memref<56x1024xf32, #tpu.memory_space<vmem>>) offsets(%arg8 : memref<56xi32, #tpu.memory_space<vmem>>) semaphore(%arg15 : memref<!tpu.dma_semaphore, #tpu.memory_space<semaphore_mem>>)
    %dma_wait3A_45 = arith.constant 0 : i32
    %dma_wait3A_46 = arith.constant 0 : i32
    %dma_wait3A_47 = tpu.memref_slice %arg7[%dma_wait3A_45, %dma_wait3A_46] : memref<8280x1024xf32, #tpu.memory_space<hbm>> -> memref<8280x1024xf32, #tpu.memory_space<hbm>>
    tpu.wait_indirect_dma semaphore(%arg18 : memref<!tpu.dma_semaphore, #tpu.memory_space<semaphore_mem>>) src(%arg13 : memref<56x1024xf32, #tpu.memory_space<vmem>>) dst(%dma_wait3A_47 : memref<8280x1024xf32, #tpu.memory_space<hbm>>)
    %add3A_48 = arith.constant 168 : i32
    %add3A_49 = arith.addi %mul3A_14, %add3A_48 : i32
    "tpu.region"() ({
      %run_scoped3A = tpu.sem_alloc : memref<!tpu.dma_semaphore, #tpu.memory_space<semaphore_mem>>
      %dma_start3A_109 = tpu.memref_slice %arg2[%add3A_49] : memref<8192xi32, #tpu.memory_space<hbm>> -> memref<56xi32, #tpu.memory_space<hbm>>
      %dma_start3A_110 = tpu.memref_slice %arg2[%add3A_49] : memref<8192xi32, #tpu.memory_space<hbm>> -> memref<56xi32, #tpu.memory_space<hbm>>
      tpu.enqueue_dma source(%dma_start3A_110 : memref<56xi32, #tpu.memory_space<hbm>>) target(%arg9 : memref<56xi32, #tpu.memory_space<vmem>>) target_semaphore(%run_scoped3A : memref<!tpu.dma_semaphore, #tpu.memory_space<semaphore_mem>>)
      %dma_wait3A_111 = tpu.memref_slice %arg2[%add3A_49] : memref<8192xi32, #tpu.memory_space<hbm>> -> memref<56xi32, #tpu.memory_space<hbm>>
      %dma_wait3A_112 = tpu.memref_slice %arg2[%add3A_49] : memref<8192xi32, #tpu.memory_space<hbm>> -> memref<56xi32, #tpu.memory_space<hbm>>
      tpu.wait_dma2 semaphore(%run_scoped3A : memref<!tpu.dma_semaphore, #tpu.memory_space<semaphore_mem>>) src(%dma_wait3A_112 : memref<56xi32, #tpu.memory_space<hbm>>) dst(%arg9 : memref<56xi32, #tpu.memory_space<vmem>>)
      tpu.yield
    }) : () -> ()
    %add3A_50 = arith.constant 168 : i32
    %add3A_51 = arith.addi %mul3A_14, %add3A_50 : i32
    "tpu.region"() ({
      %run_scoped3A = tpu.sem_alloc : memref<!tpu.dma_semaphore, #tpu.memory_space<semaphore_mem>>
      %dma_start3A_109 = tpu.memref_slice %arg5[%add3A_51] : memref<8192xi32, #tpu.memory_space<hbm>> -> memref<56xi32, #tpu.memory_space<hbm>>
      %dma_start3A_110 = tpu.memref_slice %arg5[%add3A_51] : memref<8192xi32, #tpu.memory_space<hbm>> -> memref<56xi32, #tpu.memory_space<hbm>>
      tpu.enqueue_dma source(%dma_start3A_110 : memref<56xi32, #tpu.memory_space<hbm>>) target(%arg11 : memref<56xi32, #tpu.memory_space<vmem>>) target_semaphore(%run_scoped3A : memref<!tpu.dma_semaphore, #tpu.memory_space<semaphore_mem>>)
      %dma_wait3A_111 = tpu.memref_slice %arg5[%add3A_51] : memref<8192xi32, #tpu.memory_space<hbm>> -> memref<56xi32, #tpu.memory_space<hbm>>
      %dma_wait3A_112 = tpu.memref_slice %arg5[%add3A_51] : memref<8192xi32, #tpu.memory_space<hbm>> -> memref<56xi32, #tpu.memory_space<hbm>>
      tpu.wait_dma2 semaphore(%run_scoped3A : memref<!tpu.dma_semaphore, #tpu.memory_space<semaphore_mem>>) src(%dma_wait3A_112 : memref<56xi32, #tpu.memory_space<hbm>>) dst(%arg11 : memref<56xi32, #tpu.memory_space<vmem>>)
      tpu.yield
    }) : () -> ()
    %dma_wait3A_52 = arith.constant 0 : i32
    %dma_wait3A_53 = arith.constant 0 : i32
    %dma_wait3A_54 = tpu.memref_slice %arg3[%dma_wait3A_52, %dma_wait3A_53] : memref<30522x1024xf32, #tpu.memory_space<hbm>> -> memref<30522x1024xf32, #tpu.memory_space<hbm>>
    tpu.wait_indirect_dma semaphore(%arg15 : memref<!tpu.dma_semaphore, #tpu.memory_space<semaphore_mem>>) src(%dma_wait3A_54 : memref<30522x1024xf32, #tpu.memory_space<hbm>>) dst(%arg12 : memref<56x1024xf32, #tpu.memory_space<vmem>>)
    %dma_start3A_55 = arith.constant 0 : i32
    %dma_start3A_56 = arith.constant 0 : i32
    %dma_start3A_57 = tpu.memref_slice %arg7[%dma_start3A_55, %dma_start3A_56] : memref<8280x1024xf32, #tpu.memory_space<hbm>> -> memref<8280x1024xf32, #tpu.memory_space<hbm>>
    tpu.enqueue_indirect_dma source(%arg12 : memref<56x1024xf32, #tpu.memory_space<vmem>>) target(%dma_start3A_57 : memref<8280x1024xf32, #tpu.memory_space<hbm>>) offsets(%arg10 : memref<56xi32, #tpu.memory_space<vmem>>) semaphore(%arg17 : memref<!tpu.dma_semaphore, #tpu.memory_space<semaphore_mem>>)
    %dma_start3A_58 = arith.constant 0 : i32
    %dma_start3A_59 = arith.constant 0 : i32
    %dma_start3A_60 = tpu.memref_slice %arg3[%dma_start3A_58, %dma_start3A_59] : memref<30522x1024xf32, #tpu.memory_space<hbm>> -> memref<30522x1024xf32, #tpu.memory_space<hbm>>
    tpu.enqueue_indirect_dma source(%dma_start3A_60 : memref<30522x1024xf32, #tpu.memory_space<hbm>>) target(%arg13 : memref<56x1024xf32, #tpu.memory_space<vmem>>) offsets(%arg9 : memref<56xi32, #tpu.memory_space<vmem>>) semaphore(%arg16 : memref<!tpu.dma_semaphore, #tpu.memory_space<semaphore_mem>>)
    %dma_wait3A_61 = arith.constant 0 : i32
    %dma_wait3A_62 = arith.constant 0 : i32
    %dma_wait3A_63 = tpu.memref_slice %arg7[%dma_wait3A_61, %dma_wait3A_62] : memref<8280x1024xf32, #tpu.memory_space<hbm>> -> memref<8280x1024xf32, #tpu.memory_space<hbm>>
    tpu.wait_indirect_dma semaphore(%arg17 : memref<!tpu.dma_semaphore, #tpu.memory_space<semaphore_mem>>) src(%arg12 : memref<56x1024xf32, #tpu.memory_space<vmem>>) dst(%dma_wait3A_63 : memref<8280x1024xf32, #tpu.memory_space<hbm>>)
    %add3A_64 = arith.constant 224 : i32
    %add3A_65 = arith.addi %mul3A_14, %add3A_64 : i32
    "tpu.region"() ({
      %run_scoped3A = tpu.sem_alloc : memref<!tpu.dma_semaphore, #tpu.memory_space<semaphore_mem>>
      %dma_start3A_109 = arith.constant 0 : i32
      %dma_start3A_110 = tpu.memref_slice %arg8[%dma_start3A_109] : memref<56xi32, #tpu.memory_space<vmem>> -> memref<32xi32, #tpu.memory_space<vmem>>
      %dma_start3A_111 = tpu.memref_slice %arg2[%add3A_65] : memref<8192xi32, #tpu.memory_space<hbm>> -> memref<32xi32, #tpu.memory_space<hbm>>
      %dma_start3A_112 = arith.constant 0 : i32
      %dma_start3A_113 = tpu.memref_slice %arg8[%dma_start3A_112] : memref<56xi32, #tpu.memory_space<vmem>> -> memref<32xi32, #tpu.memory_space<vmem>>
      %dma_start3A_114 = tpu.memref_slice %arg2[%add3A_65] : memref<8192xi32, #tpu.memory_space<hbm>> -> memref<32xi32, #tpu.memory_space<hbm>>
      tpu.enqueue_dma source(%dma_start3A_114 : memref<32xi32, #tpu.memory_space<hbm>>) target(%dma_start3A_113 : memref<32xi32, #tpu.memory_space<vmem>>) target_semaphore(%run_scoped3A : memref<!tpu.dma_semaphore, #tpu.memory_space<semaphore_mem>>)
      %dma_wait3A_115 = arith.constant 0 : i32
      %dma_wait3A_116 = tpu.memref_slice %arg8[%dma_wait3A_115] : memref<56xi32, #tpu.memory_space<vmem>> -> memref<32xi32, #tpu.memory_space<vmem>>
      %dma_wait3A_117 = tpu.memref_slice %arg2[%add3A_65] : memref<8192xi32, #tpu.memory_space<hbm>> -> memref<32xi32, #tpu.memory_space<hbm>>
      %dma_wait3A_118 = arith.constant 0 : i32
      %dma_wait3A_119 = tpu.memref_slice %arg8[%dma_wait3A_118] : memref<56xi32, #tpu.memory_space<vmem>> -> memref<32xi32, #tpu.memory_space<vmem>>
      %dma_wait3A_120 = tpu.memref_slice %arg2[%add3A_65] : memref<8192xi32, #tpu.memory_space<hbm>> -> memref<32xi32, #tpu.memory_space<hbm>>
      tpu.wait_dma2 semaphore(%run_scoped3A : memref<!tpu.dma_semaphore, #tpu.memory_space<semaphore_mem>>) src(%dma_wait3A_120 : memref<32xi32, #tpu.memory_space<hbm>>) dst(%dma_wait3A_119 : memref<32xi32, #tpu.memory_space<vmem>>)
      tpu.yield
    }) : () -> ()
    %add3A_66 = arith.constant 224 : i32
    %add3A_67 = arith.addi %mul3A_14, %add3A_66 : i32
    "tpu.region"() ({
      %run_scoped3A = tpu.sem_alloc : memref<!tpu.dma_semaphore, #tpu.memory_space<semaphore_mem>>
      %dma_start3A_109 = arith.constant 0 : i32
      %dma_start3A_110 = tpu.memref_slice %arg10[%dma_start3A_109] : memref<56xi32, #tpu.memory_space<vmem>> -> memref<32xi32, #tpu.memory_space<vmem>>
      %dma_start3A_111 = tpu.memref_slice %arg5[%add3A_67] : memref<8192xi32, #tpu.memory_space<hbm>> -> memref<32xi32, #tpu.memory_space<hbm>>
      %dma_start3A_112 = arith.constant 0 : i32
      %dma_start3A_113 = tpu.memref_slice %arg10[%dma_start3A_112] : memref<56xi32, #tpu.memory_space<vmem>> -> memref<32xi32, #tpu.memory_space<vmem>>
      %dma_start3A_114 = tpu.memref_slice %arg5[%add3A_67] : memref<8192xi32, #tpu.memory_space<hbm>> -> memref<32xi32, #tpu.memory_space<hbm>>
      tpu.enqueue_dma source(%dma_start3A_114 : memref<32xi32, #tpu.memory_space<hbm>>) target(%dma_start3A_113 : memref<32xi32, #tpu.memory_space<vmem>>) target_semaphore(%run_scoped3A : memref<!tpu.dma_semaphore, #tpu.memory_space<semaphore_mem>>)
      %dma_wait3A_115 = arith.constant 0 : i32
      %dma_wait3A_116 = tpu.memref_slice %arg10[%dma_wait3A_115] : memref<56xi32, #tpu.memory_space<vmem>> -> memref<32xi32, #tpu.memory_space<vmem>>
      %dma_wait3A_117 = tpu.memref_slice %arg5[%add3A_67] : memref<8192xi32, #tpu.memory_space<hbm>> -> memref<32xi32, #tpu.memory_space<hbm>>
      %dma_wait3A_118 = arith.constant 0 : i32
      %dma_wait3A_119 = tpu.memref_slice %arg10[%dma_wait3A_118] : memref<56xi32, #tpu.memory_space<vmem>> -> memref<32xi32, #tpu.memory_space<vmem>>
      %dma_wait3A_120 = tpu.memref_slice %arg5[%add3A_67] : memref<8192xi32, #tpu.memory_space<hbm>> -> memref<32xi32, #tpu.memory_space<hbm>>
      tpu.wait_dma2 semaphore(%run_scoped3A : memref<!tpu.dma_semaphore, #tpu.memory_space<semaphore_mem>>) src(%dma_wait3A_120 : memref<32xi32, #tpu.memory_space<hbm>>) dst(%dma_wait3A_119 : memref<32xi32, #tpu.memory_space<vmem>>)
      tpu.yield
    }) : () -> ()
    %dma_wait3A_68 = arith.constant 0 : i32
    %dma_wait3A_69 = arith.constant 0 : i32
    %dma_wait3A_70 = tpu.memref_slice %arg3[%dma_wait3A_68, %dma_wait3A_69] : memref<30522x1024xf32, #tpu.memory_space<hbm>> -> memref<30522x1024xf32, #tpu.memory_space<hbm>>
    tpu.wait_indirect_dma semaphore(%arg16 : memref<!tpu.dma_semaphore, #tpu.memory_space<semaphore_mem>>) src(%dma_wait3A_70 : memref<30522x1024xf32, #tpu.memory_space<hbm>>) dst(%arg13 : memref<56x1024xf32, #tpu.memory_space<vmem>>)
    %dma_start3A_71 = arith.constant 0 : i32
    %dma_start3A_72 = arith.constant 0 : i32
    %dma_start3A_73 = tpu.memref_slice %arg7[%dma_start3A_71, %dma_start3A_72] : memref<8280x1024xf32, #tpu.memory_space<hbm>> -> memref<8280x1024xf32, #tpu.memory_space<hbm>>
    tpu.enqueue_indirect_dma source(%arg13 : memref<56x1024xf32, #tpu.memory_space<vmem>>) target(%dma_start3A_73 : memref<8280x1024xf32, #tpu.memory_space<hbm>>) offsets(%arg11 : memref<56xi32, #tpu.memory_space<vmem>>) semaphore(%arg18 : memref<!tpu.dma_semaphore, #tpu.memory_space<semaphore_mem>>)
    %dma_start3A_74 = arith.constant 0 : i32
    %dma_start3A_75 = arith.constant 0 : i32
    %dma_start3A_76 = tpu.memref_slice %arg12[%dma_start3A_74, %dma_start3A_75] : memref<56x1024xf32, #tpu.memory_space<vmem>> -> memref<32x1024xf32, #tpu.memory_space<vmem>>
    %dma_start3A_77 = arith.constant 0 : i32
    %dma_start3A_78 = tpu.memref_slice %arg8[%dma_start3A_77] : memref<56xi32, #tpu.memory_space<vmem>> -> memref<32xi32, #tpu.memory_space<vmem>>
    %dma_start3A_79 = arith.constant 0 : i32
    %dma_start3A_80 = arith.constant 0 : i32
    %dma_start3A_81 = tpu.memref_slice %arg3[%dma_start3A_79, %dma_start3A_80] : memref<30522x1024xf32, #tpu.memory_space<hbm>> -> memref<30522x1024xf32, #tpu.memory_space<hbm>>
    tpu.enqueue_indirect_dma source(%dma_start3A_81 : memref<30522x1024xf32, #tpu.memory_space<hbm>>) target(%dma_start3A_76 : memref<32x1024xf32, #tpu.memory_space<vmem>>) offsets(%dma_start3A_78 : memref<32xi32, #tpu.memory_space<vmem>>) semaphore(%arg15 : memref<!tpu.dma_semaphore, #tpu.memory_space<semaphore_mem>>)
    %dma_wait3A_82 = arith.constant 0 : i32
    %dma_wait3A_83 = arith.constant 0 : i32
    %dma_wait3A_84 = tpu.memref_slice %arg12[%dma_wait3A_82, %dma_wait3A_83] : memref<56x1024xf32, #tpu.memory_space<vmem>> -> memref<32x1024xf32, #tpu.memory_space<vmem>>
    %dma_wait3A_85 = arith.constant 0 : i32
    %dma_wait3A_86 = tpu.memref_slice %arg8[%dma_wait3A_85] : memref<56xi32, #tpu.memory_space<vmem>> -> memref<32xi32, #tpu.memory_space<vmem>>
    %dma_wait3A_87 = arith.constant 0 : i32
    %dma_wait3A_88 = arith.constant 0 : i32
    %dma_wait3A_89 = tpu.memref_slice %arg3[%dma_wait3A_87, %dma_wait3A_88] : memref<30522x1024xf32, #tpu.memory_space<hbm>> -> memref<30522x1024xf32, #tpu.memory_space<hbm>>
    tpu.wait_indirect_dma semaphore(%arg15 : memref<!tpu.dma_semaphore, #tpu.memory_space<semaphore_mem>>) src(%dma_wait3A_89 : memref<30522x1024xf32, #tpu.memory_space<hbm>>) dst(%dma_wait3A_84 : memref<32x1024xf32, #tpu.memory_space<vmem>>)
    %dma_start3A_90 = arith.constant 0 : i32
    %dma_start3A_91 = arith.constant 0 : i32
    %dma_start3A_92 = tpu.memref_slice %arg12[%dma_start3A_90, %dma_start3A_91] : memref<56x1024xf32, #tpu.memory_space<vmem>> -> memref<32x1024xf32, #tpu.memory_space<vmem>>
    %dma_start3A_93 = arith.constant 0 : i32
    %dma_start3A_94 = tpu.memref_slice %arg10[%dma_start3A_93] : memref<56xi32, #tpu.memory_space<vmem>> -> memref<32xi32, #tpu.memory_space<vmem>>
    %dma_start3A_95 = arith.constant 0 : i32
    %dma_start3A_96 = arith.constant 0 : i32
    %dma_start3A_97 = tpu.memref_slice %arg7[%dma_start3A_95, %dma_start3A_96] : memref<8280x1024xf32, #tpu.memory_space<hbm>> -> memref<8280x1024xf32, #tpu.memory_space<hbm>>
    tpu.enqueue_indirect_dma source(%dma_start3A_92 : memref<32x1024xf32, #tpu.memory_space<vmem>>) target(%dma_start3A_97 : memref<8280x1024xf32, #tpu.memory_space<hbm>>) offsets(%dma_start3A_94 : memref<32xi32, #tpu.memory_space<vmem>>) semaphore(%arg17 : memref<!tpu.dma_semaphore, #tpu.memory_space<semaphore_mem>>)
    %dma_wait3A_98 = arith.constant 0 : i32
    %dma_wait3A_99 = arith.constant 0 : i32
    %dma_wait3A_100 = tpu.memref_slice %arg12[%dma_wait3A_98, %dma_wait3A_99] : memref<56x1024xf32, #tpu.memory_space<vmem>> -> memref<32x1024xf32, #tpu.memory_space<vmem>>
    %dma_wait3A_101 = arith.constant 0 : i32
    %dma_wait3A_102 = tpu.memref_slice %arg10[%dma_wait3A_101] : memref<56xi32, #tpu.memory_space<vmem>> -> memref<32xi32, #tpu.memory_space<vmem>>
    %dma_wait3A_103 = arith.constant 0 : i32
    %dma_wait3A_104 = arith.constant 0 : i32
    %dma_wait3A_105 = tpu.memref_slice %arg7[%dma_wait3A_103, %dma_wait3A_104] : memref<8280x1024xf32, #tpu.memory_space<hbm>> -> memref<8280x1024xf32, #tpu.memory_space<hbm>>
    tpu.wait_indirect_dma semaphore(%arg17 : memref<!tpu.dma_semaphore, #tpu.memory_space<semaphore_mem>>) src(%dma_wait3A_100 : memref<32x1024xf32, #tpu.memory_space<vmem>>) dst(%dma_wait3A_105 : memref<8280x1024xf32, #tpu.memory_space<hbm>>)
    %dma_wait3A_106 = arith.constant 0 : i32
    %dma_wait3A_107 = arith.constant 0 : i32
    %dma_wait3A_108 = tpu.memref_slice %arg7[%dma_wait3A_106, %dma_wait3A_107] : memref<8280x1024xf32, #tpu.memory_space<hbm>> -> memref<8280x1024xf32, #tpu.memory_space<hbm>>
    tpu.wait_indirect_dma semaphore(%arg18 : memref<!tpu.dma_semaphore, #tpu.memory_space<semaphore_mem>>) src(%arg13 : memref<56x1024xf32, #tpu.memory_space<vmem>>) dst(%dma_wait3A_108 : memref<8280x1024xf32, #tpu.memory_space<hbm>>)
    return
  }
}

module attributes {stable_mosaic.version = 14 : i64} {
  func.func @body(%arg0: i32, %arg1: memref<512x1024xf32, #tpu.memory_space<vmem>>, %arg2: memref<1024x1024xf32, #tpu.memory_space<vmem>>, %arg3: memref<1x1024xf32, #tpu.memory_space<vmem>>, %arg4: memref<512x1xf32, #tpu.memory_space<vmem>>, %arg5: memref<128x32x128xf32, #tpu.memory_space<vmem>>) attributes {dimension_semantics = [#tpu.dimension_semantics<arbitrary>], iteration_bounds = array<i64: 17>, scalar_prefetch = 0 : i64, scratch_operands = 0 : i64, tpu.core_type = #tpu.core_type<tc>, window_params = [{transform_indices = @transform_0, window_bounds = array<i64: 512, 1024>}, {pipeline_mode = #tpu.pipeline_mode<synchronous>, transform_indices = @transform_1, window_bounds = array<i64: 1024, 1024>}, {pipeline_mode = #tpu.pipeline_mode<synchronous>, transform_indices = @transform_2, window_bounds = array<i64: 1, 1024>}, {transform_indices = @transform_3, window_bounds = array<i64: 512, 1>}, {transform_indices = @transform_4, window_bounds = array<i64: 128, 32, 128>}]} {
    %get3A = arith.constant 0 : index
    %get3A_0 = arith.constant 0 : index
    %get3A_1 = vector.load %arg1[%get3A, %get3A_0] : memref<512x1024xf32, #tpu.memory_space<vmem>>, vector<512x1024xf32>
    %convert_element_type3A = arith.truncf %get3A_1 : vector<512x1024xf32> to vector<512x1024xbf16>
    %get3A_2 = arith.constant 0 : index
    %get3A_3 = arith.constant 0 : index
    %get3A_4 = vector.load %arg2[%get3A_2, %get3A_3] : memref<1024x1024xf32, #tpu.memory_space<vmem>>, vector<1024x1024xf32>
    %convert_element_type3A_5 = arith.truncf %get3A_4 : vector<1024x1024xf32> to vector<1024x1024xbf16>
    %dot_general3A = arith.constant dense<0.000000e+00> : vector<512x1024xf32>
    %dot_general3A_6 = tpu.matmul %convert_element_type3A, %convert_element_type3A_5, %dot_general3A {dimension_numbers = #tpu.dot_dimension_numbers<[1], [0], [0], [1], [0, 0, 1, 1], [], []>, transpose_lhs_hint = false} : vector<512x1024xbf16>, vector<1024x1024xbf16>, vector<512x1024xf32> -> vector<512x1024xf32>
    %get3A_7 = arith.constant 0 : index
    %get3A_8 = arith.constant 0 : index
    %get3A_9 = vector.load %arg3[%get3A_7, %get3A_8] : memref<1x1024xf32, #tpu.memory_space<vmem>>, vector<1x1024xf32>
    %add3A = vector.broadcast %get3A_9 : vector<1x1024xf32> to vector<512x1024xf32>
    %add3A_10 = arith.addf %dot_general3A_6, %add3A : vector<512x1024xf32>
    %tanh3A = math.tanh %add3A_10 : vector<512x1024xf32>
    %get3A_11 = arith.constant 0 : index
    %get3A_12 = arith.constant 0 : index
    %get3A_13 = vector.load %arg4[%get3A_11, %get3A_12] : memref<512x1xf32, #tpu.memory_space<vmem>>, vector<512x1xf32>
    %mul3A = vector.broadcast %get3A_13 : vector<512x1xf32> to vector<512x1024xf32>
    %mul3A_14 = arith.mulf %tanh3A, %mul3A : vector<512x1024xf32>
    %reshape3A = vector.shape_cast %mul3A_14 : vector<512x1024xf32> to vector<128x4x8x128xf32>
    %transpose3A = tpu.transpose %reshape3A, [0, 2, 1, 3] : vector<128x4x8x128xf32> -> vector<128x8x4x128xf32>
    %reshape3A_15 = vector.shape_cast %transpose3A : vector<128x8x4x128xf32> to vector<128x32x128xf32>
    %swap3A = arith.constant 0 : index
    %swap3A_16 = arith.constant 0 : index
    %swap3A_17 = arith.constant 0 : index
    %swap3A_18 = vector.load %arg5[%swap3A, %swap3A_16, %swap3A_17] : memref<128x32x128xf32, #tpu.memory_space<vmem>>, vector<128x32x128xf32>
    tpu.vector_store %arg5[%swap3A, %swap3A_16, %swap3A_17], %reshape3A_15 {strides = array<i32>} : memref<128x32x128xf32, #tpu.memory_space<vmem>>, vector<128x32x128xf32>,
    return
  }
  func.func @transform_0(%arg0: i32) -> (i32, i32) {
    %c0_i32 = arith.constant 0 : i32
    %c0_i32_0 = arith.constant 0 : i32
    return %arg0, %c0_i32 : i32, i32
  }
  func.func @transform_1(%arg0: i32) -> (i32, i32) {
    %c0_i32 = arith.constant 0 : i32
    %c0_i32_0 = arith.constant 0 : i32
    %c0_i32_1 = arith.constant 0 : i32
    return %c0_i32, %c0_i32_0 : i32, i32
  }
  func.func @transform_2(%arg0: i32) -> (i32, i32) {
    %c0_i32 = arith.constant 0 : i32
    %c0_i32_0 = arith.constant 0 : i32
    %c0_i32_1 = arith.constant 0 : i32
    return %c0_i32, %c0_i32_0 : i32, i32
  }
  func.func @transform_3(%arg0: i32) -> (i32, i32) {
    %c0_i32 = arith.constant 0 : i32
    %c0_i32_0 = arith.constant 0 : i32
    return %arg0, %c0_i32 : i32, i32
  }
  func.func @transform_4(%arg0: i32) -> (i32, i32, i32) {
    %c0_i32 = arith.constant 0 : i32
    %c0_i32_0 = arith.constant 0 : i32
    %c0_i32_1 = arith.constant 0 : i32
    return %arg0, %c0_i32, %c0_i32_0 : i32, i32, i32
  }
}

</mosaic_0001>

<sc_bundles>
// kernel: kernel.4.cloned.1.call-start
scs
__scs_entry_jumppad:
0x0: {  	(pc) =	sbr.rel $0x88, $3  }
0x1: {  	(tag) =	ssettag $0x0;
	lr =	simm.s32 $0x1  }
0x2: {  	[smem:$0x3F9B] =	sst lr;
	_ =	strace $0xD0000000  }
0x3: {  	_ = 	snop  }
0x4: {  	_ = 	snop  }
0x5: {  	_ = 	snop  }
0x6: {  	_ = 	snop  }
0x7: {  	_ = 	snop  }
__scs_overlays_trampoline_lowered:
0x8: {  	[smem:$0x3FAA] =	sst s0  }
0x9: {  	[smem:$0x3FAB] =	sst s1  }
0xa: {  	[smem:$0x3FAC] =	sst s2  }
0xb: {  	[smem:$0x3FAD] =	sst s3  }
0xc: {  	[smem:$0x3FAE] =	sst s4  }
0xd: {  	[smem:$0x3FAF] =	sst s5  }
0xe: {  	[smem:$0x3FB0] =	sst s6  }
0xf: {  	[smem:$0x3FB1] =	sst s7  }
0x10: {  	[smem:$0x3FB2] =	sst s8  }
0x11: {  	[smem:$0x3FB3] =	sst s9;
	s0 =	simm.s32 @!p0 $0x0  }
0x12: {  	s1 =	sld [smem:$0x3F99];
	s0 =	simm.s32 @p0 $0x1  }
0x13: {  	[smem:$0x3FB4] =	sst s0;
	s0 =	simm.s32 @!p1 $0x0  }
0x14: {  	s2 =	sld [smem:$0x3F98];
	s0 =	simm.s32 @p1 $0x1  }
0x15: {  	[smem:$0x3FB5] =	sst s0;
	s0 =	simm.s32 @!p2 $0x0  }
0x16: {  	s3 =	sld [smem:$0x3FDB];
	s0 =	simm.s32 @p2 $0x1  }
0x17: {  	s4 =	simm.s32 $0x1BF5;
	[smem:$0x3FB7] =	sst s0  }
0x18: {  	s0 =	sld [smem:$0x3F9A];
	_ =	swait.ge [sflag:s4], $0x0  }
0x19: {  	s7 =	sld [smem:$0x3F9B]  }
0x1a: {  	s8 =	sadd.s32 $0xFFFFE003, lr  }
0x1b: {  	s9 =	sadd.s32 $0xFFFFFEF7, lr;
	s5 =	simm.s32 $0xFFFFFFFF;
	p2 =	slt.u32 s8, $0xFFFFF086  }
0x1c: {  	p1 =	slt.u32 s9, $0xF7A;
	s5 =	simm.s32 @!p2 $0x0  }
0x1d: {  	s5 =	simm.s32 @p1 $0x1;
	p0 =	seq.s32 s7, s2  }
0x1e: {  	s7 =	smul.u32 @!p0 $0xF7A, s2;
	p2 =	seq.s32 @!p0 s5, $0x0  }
0x1f: {  	s9 =	smul.u32 $0xF7A, s1;
	s8 =	simm.s32 @!p0 $0x1BF5;
	p2 =	por !p2, p0  }
0x20: {  	[sflag:s8] =	ssyncset.s32 @!p0 $0xFFFFF086;
	s6 =	sadd.s32 @!p0 s3, s7;
	s7 =	simm.s32 @!p0 $0x108  }
0x21: {  	s3 =	sadd.s32 s3, s9;
	s6 =	sadd.s32 @!p0 $0x88, s6;
	s7 =	simm.s32 @p2 $0x1082  }
0x22: {  	[simem:s7], [sflag:s8] =	dma.local @!p0 [hbm:s6], $0xF7A  }
0x23: {  	s9 =	sor.u32 $0xD0000000, s2;
	s6 =	simm.s32 $0x108;
	_ =	swait.ge @!p0 [sflag:s8], $0x0  }
0x24: {  	s3 =	sadd.s32 $0x88, s3;
	s6 =	simm.s32 @!p1 $0x1082;
	[sflag:s4] =	ssyncset.s32 $0xFFFFF086  }
0x25: {  	[simem:s6], [sflag:s4] =	dma.local [hbm:s3], $0xF7A  }
0x26: {  	[smem:$0x3F9B] =	sst s1;
	(tag) =	ssettag s2;
	_ =	strace s9  }
0x27: {  	s1 =	sld [smem:$0x3FAB]  }
0x28: {  	s2 =	sld [smem:$0x3FAC]  }
0x29: {  	s4 =	sld [smem:$0x3FAE]  }
0x2a: {  	p0 =	seq.s32 s5, $0x0;
	s5 =	sld [smem:$0x3FAF]  }
0x2b: {  	s6 =	sld [smem:$0x3FB0]  }
0x2c: {  	s7 =	sld [smem:$0x3FB1]  }
0x2d: {  	s3 =	simm.s32 $0x108;
	s8 =	sld [smem:$0x3FB2]  }
0x2e: {  	s3 =	simm.s32 @!p0 $0x1082;
	s9 =	sld [smem:$0x3FB3]  }
0x2f: {  	lr =	sadd.s32 s0, s3;
	s0 =	sld [smem:$0x3FAA]  }
0x30: {  	s3 =	sld [smem:$0x3FAD]  }
0x31: {  	[smem:$0x3FB6] =	sst s10  }
0x32: {  	s10 =	sld [smem:$0x3FB4];
	_ =	sdelay $0x3  }
0x33: {  	p0 =	seq.s32 s10, $0x1;
	s10 =	sld [smem:$0x3FB6];
	_ =	sdelay $0x3  }
0x34: {  	[smem:$0x3FB6] =	sst s10  }
0x35: {  	s10 =	sld [smem:$0x3FB5];
	_ =	sdelay $0x3  }
0x36: {  	p1 =	seq.s32 s10, $0x1;
	s10 =	sld [smem:$0x3FB6];
	_ =	sdelay $0x3  }
0x37: {  	[smem:$0x3FB6] =	sst s10  }
0x38: {  	s10 =	sld [smem:$0x3FB7]  }
0x39: {  	_ = 	snop;
	(pc) =	sbr.ind lr, $3  }
0x3a: {  	_ = 	snop  }
0x3b: {  	_ = 	snop  }
0x3c: {  	p2 =	seq.s32 s10, $0x1;
	s10 =	sld [smem:$0x3FB6]  }
0x3d: {  	_ =	shalt  }
0x3e: {  	_ =	shalt  }
0x3f: {  	_ =	shalt  }
0x40: {  	_ =	shalt  }
0x41: {  	_ =	shalt  }
0x42: {  	_ =	shalt  }
0x43: {  	_ =	shalt  }
0x44: {  	_ =	shalt  }
0x45: {  	_ =	shalt  }
0x46: {  	_ =	shalt  }
0x47: {  	_ =	shalt  }
0x48: {  	_ =	shalt  }
0x49: {  	_ =	shalt  }
0x4a: {  	_ =	shalt  }
0x4b: {  	_ =	shalt  }
0x4c: {  	_ =	shalt  }
0x4d: {  	_ =	shalt  }
0x4e: {  	_ =	shalt  }
0x4f: {  	_ =	shalt  }
0x50: {  	_ =	shalt  }
0x51: {  	_ =	shalt  }
0x52: {  	_ =	shalt  }
0x53: {  	_ =	shalt  }
0x54: {  	_ =	shalt  }
0x55: {  	_ =	shalt  }
0x56: {  	_ =	shalt  }
0x57: {  	_ =	shalt  }
0x58: {  	_ =	shalt  }
0x59: {  	_ =	shalt  }
0x5a: {  	_ =	shalt  }
0x5b: {  	_ =	shalt  }
0x5c: {  	_ =	shalt  }
0x5d: {  	_ =	shalt  }
0x5e: {  	_ =	shalt  }
0x5f: {  	_ =	shalt  }
0x60: {  	_ =	shalt  }
0x61: {  	_ =	shalt  }
0x62: {  	_ =	shalt  }
0x63: {  	_ =	shalt  }
0x64: {  	_ =	shalt  }
0x65: {  	_ =	shalt  }
0x66: {  	_ =	shalt  }
0x67: {  	_ =	shalt  }
0x68: {  	_ =	shalt  }
0x69: {  	_ =	shalt  }
0x6a: {  	_ =	shalt  }
0x6b: {  	_ =	shalt  }
0x6c: {  	_ =	shalt  }
0x6d: {  	_ =	shalt  }
0x6e: {  	_ =	shalt  }
0x6f: {  	_ =	shalt  }
0x70: {  	_ =	shalt  }
0x71: {  	_ =	shalt  }
0x72: {  	_ =	shalt  }
0x73: {  	_ =	shalt  }
0x74: {  	_ =	shalt  }
0x75: {  	_ =	shalt  }
0x76: {  	_ =	shalt  }
0x77: {  	_ =	shalt  }
0x78: {  	_ =	shalt  }
0x79: {  	_ =	shalt  }
0x7a: {  	_ =	shalt  }
0x7b: {  	_ =	shalt  }
0x7c: {  	_ =	shalt  }
0x7d: {  	_ =	shalt  }
0x7e: {  	_ =	shalt  }
0x7f: {  	_ =	shalt  }
0x80: {  	_ =	shalt  }
0x81: {  	_ =	shalt  }
0x82: {  	_ =	shalt  }
0x83: {  	_ =	shalt  }
0x84: {  	_ =	shalt  }
0x85: {  	_ =	shalt  }
0x86: {  	_ =	shalt  }
0x87: {  	_ =	shalt  }
.Lfunc_end0:
.L_simem_size_0:
called_computation_lowered:
.L_overlay_start_0:
0x88: {  	s2 =	sld [smem:$0x3FD9]  }
0x89: {  	s3 =	sld [smem:$0x3FFE];
	_ =	sdelay $0x1  }
0x8a: {  	s1 =	srdreg.scid  }
0x8b: {  	s0 =	sand.u32 $0x1, s1  }
0x8c: {  	s17 =	sshll.u32 s0, $0xA;
	s2 =	sadd.s32 s3, s2  }
0x8d: {  	s2 =	sadd.s32 s2, s17  }
0x8e: {  	[smem:$0x3FC2] =	sst s2  }
0x8f: {  	_ = 	snop  }
0x90: {  	s2 =	sld [smem:$0x3FC7]  }
0x91: {  	s18 =	sld [smem:$0x3FD0];
	(tm) =	ssettm $0x1  }
0x92: {  	s4 =	sld [smem:$0x3FFB];
	_ =	sdelay $0x3  }
0x93: {  	_ =	strace s4  }
0x94: {  	s4 =	sld [smem:$0x3FFC];
	_ =	sdelay $0x3  }
0x95: {  	_ =	strace s4  }
0x96: {  	s4 =	sld [smem:$0x3FFD];
	_ =	sdelay $0x3  }
0x97: {  	_ =	strace s4  }
0x98: {  	_ =	strace $0x8FFFFFFF  }
0x99: {  	s19 =	sld [smem:$0x3FDB];
	_ =	sdelay $0x1  }
0x9a: {  	s5 =	simm.s32 $_scs_section_size  }
0x9b: {  	s6 =	simm.s32 $_size__tile_overlayer_lowered;
	s7 =	simm.s32 $_tile_overlayer_lowered  }
0x9c: {  	s22 =	simm.s32 $0x1BFF;
	s21 =	sshll.u32 s7, $0x1;
	s4 =	sadd.s32 s5, s19  }
0x9d: {  	s8 =	simm.s32 $0x0;
	s20 =	sshll.u32 s6, $0x1;
	s6 =	sadd.s32 s21, s4  }
0x9e: {  	[timem:s8], [sflag:s22] =	dma.local [hbm:s6], s20  }
0x9f: {  	_ =	swait.ge [sflag:s22], s20  }
0xa0: {  	s5 =	ssub.s32 $0x0, s20;
	[sflag:s22] =	ssyncset.done $0x0  }
0xa1: {  	[sflag:s22] =	ssyncadd.s32 s5;
	_ =	sdelay $0x1  }
0xa2: {  	s23 =	simm.s32 $0x1B8B  }
0xa3: {  	_ =	swait.ge [sflag:s23], $0x1  }
0xa4: {  	[sflag:s23] =	ssyncset.done $0x0  }
0xa5: {  	s25 =	simm.s32 $0x1B8E;
	s24 =	sld [smem:$0x3FFE];
	[sflag:s23] =	ssyncadd.s32 $0xFFFFFFFF  }
0xa6: {  	s26 =	simm.s32 $execute0_lowered;
	[smem:$0x3FD2] =	sst s25  }
0xa7: {  	s6 =	sshll.u32 s26, $0x1;
	_ =	strace $0x80000046;
	[dreg:$0x1] =	wrdreg $0xFFFFFFFF  }
0xa8: {  	s28 =	simm.s32 $_size_execute0_lowered;
	s4 =	sadd.s32 s4, s6;
	[dreg:$0x0] =	wrdreg $0x0  }
0xa9: {  	s6 =	sshll.u32 s28, $0x1;
	[dreg:$0x2] =	wrdreg s4  }
0xaa: {  	[dreg:$0x3] =	wrdreg s6  }
0xab: {  	[dreg:$0x4] =	wrdreg $0xC0  }
0xac: {  	_ =	task [dreg:s8], $0x5FFFF  }
0xad: {  	[dreg:$0x1] =	wrdreg $0xFFFFFFFF  }
0xae: {  	[dreg:$0x0] =	wrdreg $0x60  }
0xaf: {  	[dreg:$0x2] =	wrdreg s24  }
0xb0: {  	[dreg:$0x3] =	wrdreg s2  }
0xb1: {  	[dreg:$0x4] =	wrdreg s18  }
0xb2: {  	[dreg:$0x5] =	wrdreg $0x9  }
0xb3: {  	_ =	task.clear_ibuf [dreg:s8], $0x6FFFF;
	_ =	strace $0x90000046  }
0xb4: {  	s29 =	simm.s32 $0x9;
	_ =	strace $0x80000048  }
0xb5: {  	_ =	swait.ge [sflag:s29], $0x1  }
0xb6: {  	[sflag:s29] =	ssyncadd.s32 $0xFFFFFFFF  }
0xb7: {  	_ =	strace $0x90000048  }
0xb8: {  	_ =	sfence  }
0xb9: {  	s30 =	sld [smem:$0x0];
	_ =	sdelay $0x2  }
0xba: {  	s31 =	sshll.u32 s1, $0xD;
	s1 =	sshrl.u32 s1, $0x2  }
0xbb: {  	s3 =	sand.u32 $0x4000, s31;
	s1 =	sadd.s32 s1, s30  }
0xbc: {  	s0 =	sor.u32 s3, s0;
	s1 =	sshll.u32 s1, $0x11  }
0xbd: {  	s0 =	sor.u32 s1, s0  }
0xbe: {  	s0 =	sadd.s32 $0x8F2B, s0  }
0xbf: {  	[sflag:s0] =	ssyncadd.remote.s32 $0x1  }
0xc0: {  	_ =	sfence.sel $0xFFFF  }
0xc1: {  	[dreg:$0x0] =	wrdreg $0xFFFFFFFF;
	(pc) =	sbr.abs _section_cstart, $3  }
0xc2: {  	[dreg:$0x1] =	wrdreg $0xFFFFFFFF  }
0xc3: {  	_ =	task.clear_ibuf [dreg:s8], $0x2FFFF;
	_ =	strace $0x9FFFFFFF  }
0xc4: {  	(tm) =	ssettm $0x7FFFFFFF  }
0xc5: {  	_ =	shalt  }
tec
execute0_lowered:
.L_overlay_start_1:
0x0: {  	(tag) =	ssettag $0x1  }
0x1: {  	s0 =	rddreg [dreg:$0x0]  }
0x2: {  	s1 =	rddreg [dreg:$0x1]  }
0x3: {  	s2 =	rddreg [dreg:$0x2];
	s7 =	stileid.u32  }
0x4: {  	s3 =	simm.s32 $0x0;
	s5 =	srdreg.scid;
	[dreg:$0x4] =	wrdreg s2  }
0x5: {  	[smem:$0x7FF] =	sst s3;
	s18 =	sadd.s32 $0xE00, s0;
	s4 =	sshll.u32 s7, $0x2  }
0x6: {  	s9 =	sadd.s32 $0xA00, s0;
	s5 =	sand.u32 $0x1, s5;
	s7 =	sshll.u32 s7, $0x1  }
0x7: {  	_ =	strace $0x80000047;
	s4 =	sand.u32 $0x30, s4;
	s8 =	ssub.s32 $0x2, s5  }
0x8: {  	s5 =	sor.u32 s5, s7;
	s6 =	sadd.s32 s4, s0;
	s4 =	sadd.s32 $0x1400, s0  }
0x9: {  	s19 =	sshrl.u32 s8, $0x1;
	s10 =	sshll.u32 s5, $0x5;
	s12 =	sand.u32 $0x7, s5  }
0xa: {  	s5 =	sadd.s32 $0x1500, s0;
	s6 =	sadd.s32 $0x1200, s6;
	s11 =	ssub.s32 s8, s19  }
0xb: {  	s20 =	sadd.s32 s18, s10;
	s21 =	sadd.s32 s9, s10;
	[dreg:$0x5] =	wrdreg s6  }
0xc: {  	s22 =	sor.u32 $0x7, s10;
	s25 =	sor.u32 $0xE, s10;
	[dreg:$0x6] =	wrdreg s20  }
0xd: {  	s28 =	sor.u32 $0x15, s10;
	[dreg:$0x7] =	wrdreg s21;
	s23 =	sadd.s32 s18, s22  }
0xe: {  	s10 =	sor.u32 $0x1C, s10;
	s24 =	sadd.s32 s9, s22;
	[dreg:$0x8] =	wrdreg s23  }
0xf: {  	p0 =	sne.s32 s12, $0x0;
	s26 =	sadd.s32 s18, s25;
	[dreg:$0x9] =	wrdreg s24  }
0x10: {  	s12 =	simm.s32 $0x5;
	s7 =	sadd.s32 s9, s25;
	[dreg:$0xa] =	wrdreg s26  }
0x11: {  	s6 =	sadd.s32 $0x1600, s0;
	s29 =	sadd.s32 s18, s28;
	[dreg:$0xb] =	wrdreg s7  }
0x12: {  	s8 =	sadd.s32 s9, s28;
	s30 =	sadd.s32 s18, s10;
	[dreg:$0xc] =	wrdreg s29  }
0x13: {  	v2 =	vlaneseq.u32;
	s31 =	sadd.s32 s9, s10;
	s9 =	sadd.s32 $0x200, s1;
	[dreg:$0xd] =	wrdreg s8  }
0x14: {  	vm1 =	vmmov $0xffff;
	v0 =	vand.u32 $0x7, v2;
	v1 =	vshrl.u32 v2, $0x3;
	s10 =	sadd.s32 $0x300, s1;
	s7 =	sadd.s32 $0x1700, s0;
	[dreg:$0xe] =	wrdreg s30  }
0x15: {  	v2 =	vor.u32 $0x8, v2;
	v1 =	vmul.u32 $0x8, v1;
	vm0 =	vmmov @!p0 $0xffff;
	s8 =	sadd.s32 $0x100, s1;
	[dreg:$0xf] =	wrdreg s31;
	s0 =	smax.u32 s11, $0x1  }
.LBB2_1:
0x16: {  	s14 =	rddreg [dreg:$0x4];
	s15 =	simm.s32 @!p0 $0x0;
	s16 =	simm.s32 @!p0 $0x200  }
0x17: {  	[tilespmem:s16], [sflag:$0x5] =	stream.linear.gather @!p0 [hbm4b:s14+s15], $0x6000, $0x38;
	[tilespmem:$0x1C280] =	vst v63  }
0x18: {  	[dreg:$0x10] =	wrdreg s0;
	s14 =	simm.s32 @!p0 $0x5  }
0x19: {  	_ =	swait.ge @!p0 [sflag:s14], $0x6000  }
0x1a: {  	[sflag:s14] =	ssyncset.done @!p0 $0x0  }
0x1b: {  	s18 =	simm.s32 @!p0 $0x1C200;
	s17 =	rddreg [dreg:$0x5];
	[sflag:s14] =	ssyncadd.s32 @!p0 $0xFFFFA000  }
0x1c: {  	[tilespmem:s18], [sflag:$0x5] =	stream.linear.gather @!p0 [hbm4b:s17+s15], $0x80, $0x38;
	[tilespmem:$0x1C280] =	vst v63  }
0x1d: {  	_ =	swait.ge @!p0 [sflag:s14], $0x80  }
0x1e: {  	[sflag:s14] =	ssyncset.done @!p0 $0x0  }
0x1f: {  	[sflag:s14] =	ssyncadd.s32 @!p0 $0xFFFFFF80  }
0x20: {  	v3 =	vld @!p0 [tilespmem:$0x1C200];
	_ =	sdelay $0x4  }
0x21: {  	v4 =	vshll.u32 @!p0 v3, $0x3  }
0x22: {  	v5 =	vlaneseq.u32 @!p0;
	v3 =	vand.u32 @!p0 $0x7, v3;
	v4 =	vand.u32 @!p0 $0xFFFFFFC0, v4  }
0x23: {  	v6 =	vshrl.u32 @!p0 v5, $0x3;
	v3 =	vor.u32 @!p0 v3, v4;
	v4 =	vand.u32 @!p0 $0x7, v5  }
0x24: {  	v6 =	vmul.u32 @!p0 $0x8, v6;
	v7 =	vperm.xlane @!p0 v3, v4;
	_ =	sdelay $0x1  }
0x25: {  	v7 =	vadd.s32 @!p0 v6, v7;
	_ =	sdelay $0x4  }
0x26: {  	v5 =	vor.u32 @!p0 $0x8, v5;
	[hbm4b:s4+s15] =	stream.indirect_vreg.scatter @!p0 [tilespmem:s16], [sflag:$0x3], $0x80, v7, vm0, $0xb8;
	[tilespmem:$0x1C280] =	vst v63  }
0x27: {  	s14 =	simm.s32 @!p0 $0xA00;
	v3 =	vperm.xlane @!p0 v3, v5  }
0x28: {  	[hbm4b:s5+s15] =	stream.indirect_vreg.scatter @!p0 [tilespmem:s14], [sflag:$0x3], $0x80, v7, vm0, $0xb8;
	[tilespmem:$0x1C280] =	vst v63  }
0x29: {  	v3 =	vadd.s32 @!p0 v6, v3;
	s14 =	simm.s32 @!p0 $0x1200  }
0x2a: {  	[hbm4b:s6+s15] =	stream.indirect_vreg.scatter @!p0 [tilespmem:s14], [sflag:$0x3], $0x80, v7, vm0, $0xb8;
	[tilespmem:$0x1C280] =	vst v63  }
0x2b: {  	s14 =	simm.s32 @!p0 $0x1A00  }
0x2c: {  	[hbm4b:s7+s15] =	stream.indirect_vreg.scatter @!p0 [tilespmem:s14], [sflag:$0x3], $0x80, v7, vm0, $0xb8;
	[tilespmem:$0x1C280] =	vst v63  }
0x2d: {  	s14 =	simm.s32 @!p0 $0x2200  }
0x2e: {  	[hbm4b:s4+s15] =	stream.indirect_vreg.scatter @!p0 [tilespmem:s14], [sflag:$0x3], $0x80, v3, vm0, $0xb8;
	[tilespmem:$0x1C280] =	vst v63  }
0x2f: {  	s14 =	simm.s32 @!p0 $0x2A00  }
0x30: {  	[hbm4b:s5+s15] =	stream.indirect_vreg.scatter @!p0 [tilespmem:s14], [sflag:$0x3], $0x80, v3, vm0, $0xb8;
	[tilespmem:$0x1C280] =	vst v63  }
0x31: {  	s14 =	simm.s32 @!p0 $0x3200  }
0x32: {  	[hbm4b:s6+s15] =	stream.indirect_vreg.scatter @!p0 [tilespmem:s14], [sflag:$0x3], $0x80, v3, vm0, $0xb8;
	[tilespmem:$0x1C280] =	vst v63  }
0x33: {  	s14 =	simm.s32 @!p0 $0x3A00  }
0x34: {  	[hbm4b:s7+s15] =	stream.indirect_vreg.scatter @!p0 [tilespmem:s14], [sflag:$0x3], $0x80, v3, vm0, $0xb8;
	[tilespmem:$0x1C280] =	vst v63  }
0x35: {  	v3 =	vld.msk @!p0 [tilespmem:$0x1C210], $0xff;
	_ =	sdelay $0x4  }
0x36: {  	v5 =	vshll.u32 @!p0 v3, $0x3  }
0x37: {  	v3 =	vand.u32 @!p0 $0x7, v3;
	v5 =	vand.u32 @!p0 $0xFFFFFFC0, v5  }
0x38: {  	v3 =	vor.u32 @!p0 v3, v5  }
0x39: {  	v3 =	vperm.xlane @!p0 v3, v4;
	_ =	sdelay $0x1  }
0x3a: {  	v3 =	vadd.s32 @!p0 v6, v3;
	_ =	sdelay $0x3  }
0x3b: {  	s14 =	simm.s32 @!p0 $0x4200  }
0x3c: {  	[hbm4b:s4+s15] =	stream.indirect_vreg.scatter @!p0 [tilespmem:s14], [sflag:$0x3], $0x80, v3, vm0, $0xb8;
	[tilespmem:$0x1C280] =	vst v63  }
0x3d: {  	s14 =	simm.s32 @!p0 $0x4A00  }
0x3e: {  	[hbm4b:s5+s15] =	stream.indirect_vreg.scatter @!p0 [tilespmem:s14], [sflag:$0x3], $0x80, v3, vm0, $0xb8;
	[tilespmem:$0x1C280] =	vst v63  }
0x3f: {  	s14 =	simm.s32 @!p0 $0x5200  }
0x40: {  	[hbm4b:s6+s15] =	stream.indirect_vreg.scatter @!p0 [tilespmem:s14], [sflag:$0x3], $0x80, v3, vm0, $0xb8;
	[tilespmem:$0x1C280] =	vst v63  }
0x41: {  	s14 =	simm.s32 @!p0 $0x5A00  }
0x42: {  	[hbm4b:s7+s15] =	stream.indirect_vreg.scatter @!p0 [tilespmem:s14], [sflag:$0x3], $0x80, v3, vm0, $0xb8;
	[tilespmem:$0x1C280] =	vst v63  }
0x43: {  	s14 =	simm.s32 @!p0 $0x3  }
0x44: {  	_ =	swait.ge @!p0 [sflag:s14], $0x6000  }
0x45: {  	[sflag:s14] =	ssyncset.done @!p0 $0x0  }
0x46: {  	s18 =	rddreg [dreg:$0x6];
	[sflag:s14] =	ssyncadd.s32 @!p0 $0xFFFFA000  }
0x47: {  	[tilespmem:s3], [sflag:$0x5] =	stream.linear.gather [hbm4b:s18+s3], $0x38, $0x38;
	[tilespmem:$0x1C280] =	vst v63  }
0x48: {  	_ =	swait.ge [sflag:s12], $0x38  }
0x49: {  	[sflag:s12] =	ssyncset.done $0x0  }
0x4a: {  	s20 =	simm.s32 $0x100;
	s19 =	rddreg [dreg:$0x7];
	[sflag:s12] =	ssyncadd.s32 $0xFFFFFFC8  }
0x4b: {  	[tilespmem:s20], [sflag:$0x5] =	stream.linear.gather [hbm4b:s19+s3], $0x38, $0x38;
	[tilespmem:$0x1C280] =	vst v63  }
0x4c: {  	_ =	swait.ge [sflag:s12], $0x38  }
0x4d: {  	[sflag:s12] =	ssyncset.done $0x0  }
0x4e: {  	[sflag:s12] =	ssyncadd.s32 $0xFFFFFFC8  }
0x4f: {  	v3 =	vld [tilespmem:$0x0];
	_ =	sdelay $0x4  }
0x50: {  	v28 =	vshll.u32 v3, $0x3  }
0x51: {  	v3 =	vand.u32 $0x7, v3;
	v4 =	vand.u32 $0xFFFFFFC0, v28  }
0x52: {  	v3 =	vor.u32 v3, v4  }
0x53: {  	v4 =	vperm.xlane v3, v0;
	_ =	sdelay $0x1  }
0x54: {  	v4 =	vadd.s32 v1, v4;
	_ =	sdelay $0x3  }
0x55: {  	s21 =	simm.s32 $0x200  }
0x56: {  	[tilespmem:s21], [sflag:$0x1] =	stream.indirect_vreg.gather [hbm4b:s1+s3], $0x80, v4, vm1, $0xb8;
	[tilespmem:$0x1C280] =	vst v63  }
0x57: {  	s22 =	simm.s32 $0xA00;
	v3 =	vperm.xlane v3, v2  }
0x58: {  	[tilespmem:s22], [sflag:$0x1] =	stream.indirect_vreg.gather [hbm4b:s8+s3], $0x80, v4, vm1, $0xb8;
	[tilespmem:$0x1C280] =	vst v63  }
0x59: {  	s23 =	simm.s32 $0x1200;
	v3 =	vadd.s32 v1, v3  }
0x5a: {  	[tilespmem:s23], [sflag:$0x1] =	stream.indirect_vreg.gather [hbm4b:s9+s3], $0x80, v4, vm1, $0xb8;
	[tilespmem:$0x1C280] =	vst v63  }
0x5b: {  	s24 =	simm.s32 $0x1A00  }
0x5c: {  	[tilespmem:s24], [sflag:$0x1] =	stream.indirect_vreg.gather [hbm4b:s10+s3], $0x80, v4, vm1, $0xb8;
	[tilespmem:$0x1C280] =	vst v63  }
0x5d: {  	s25 =	simm.s32 $0x2200  }
0x5e: {  	[tilespmem:s25], [sflag:$0x1] =	stream.indirect_vreg.gather [hbm4b:s1+s3], $0x80, v3, vm1, $0xb8;
	[tilespmem:$0x1C280] =	vst v63  }
0x5f: {  	s26 =	simm.s32 $0x2A00  }
0x60: {  	[tilespmem:s26], [sflag:$0x1] =	stream.indirect_vreg.gather [hbm4b:s8+s3], $0x80, v3, vm1, $0xb8;
	[tilespmem:$0x1C280] =	vst v63  }
0x61: {  	s28 =	simm.s32 $0x3200  }
0x62: {  	[tilespmem:s28], [sflag:$0x1] =	stream.indirect_vreg.gather [hbm4b:s9+s3], $0x80, v3, vm1, $0xb8;
	[tilespmem:$0x1C280] =	vst v63  }
0x63: {  	s29 =	simm.s32 $0x3A00  }
0x64: {  	[tilespmem:s29], [sflag:$0x1] =	stream.indirect_vreg.gather [hbm4b:s10+s3], $0x80, v3, vm1, $0xb8;
	[tilespmem:$0x1C280] =	vst v63  }
0x65: {  	v3 =	vld [tilespmem:$0x10];
	_ =	sdelay $0x4  }
0x66: {  	v29 =	vshll.u32 v3, $0x3  }
0x67: {  	v3 =	vand.u32 $0x7, v3;
	v4 =	vand.u32 $0xFFFFFFC0, v29  }
0x68: {  	v3 =	vor.u32 v3, v4  }
0x69: {  	v4 =	vperm.xlane v3, v0;
	_ =	sdelay $0x1  }
0x6a: {  	v4 =	vadd.s32 v1, v4;
	_ =	sdelay $0x3  }
0x6b: {  	s30 =	simm.s32 $0x4200  }
0x6c: {  	[tilespmem:s30], [sflag:$0x1] =	stream.indirect_vreg.gather [hbm4b:s1+s3], $0x80, v4, vm1, $0xb8;
	[tilespmem:$0x1C280] =	vst v63  }
0x6d: {  	s2 =	simm.s32 $0x4A00;
	v3 =	vperm.xlane v3, v2  }
0x6e: {  	[tilespmem:s2], [sflag:$0x1] =	stream.indirect_vreg.gather [hbm4b:s8+s3], $0x80, v4, vm1, $0xb8;
	[tilespmem:$0x1C280] =	vst v63  }
0x6f: {  	s14 =	simm.s32 $0x5200;
	v3 =	vadd.s32 v1, v3  }
0x70: {  	[tilespmem:s14], [sflag:$0x1] =	stream.indirect_vreg.gather [hbm4b:s9+s3], $0x80, v4, vm1, $0xb8;
	[tilespmem:$0x1C280] =	vst v63  }
0x71: {  	s17 =	simm.s32 $0x5A00  }
0x72: {  	[tilespmem:s17], [sflag:$0x1] =	stream.indirect_vreg.gather [hbm4b:s10+s3], $0x80, v4, vm1, $0xb8;
	[tilespmem:$0x1C280] =	vst v63  }
0x73: {  	s18 =	simm.s32 $0x6200  }
0x74: {  	[tilespmem:s18], [sflag:$0x1] =	stream.indirect_vreg.gather [hbm4b:s1+s3], $0x80, v3, vm1, $0xb8;
	[tilespmem:$0x1C280] =	vst v63  }
0x75: {  	s19 =	simm.s32 $0x6A00  }
0x76: {  	[tilespmem:s19], [sflag:$0x1] =	stream.indirect_vreg.gather [hbm4b:s8+s3], $0x80, v3, vm1, $0xb8;
	[tilespmem:$0x1C280] =	vst v63  }
0x77: {  	s20 =	simm.s32 $0x7200  }
0x78: {  	[tilespmem:s20], [sflag:$0x1] =	stream.indirect_vreg.gather [hbm4b:s9+s3], $0x80, v3, vm1, $0xb8;
	[tilespmem:$0x1C280] =	vst v63  }
0x79: {  	s21 =	simm.s32 $0x7A00  }
0x7a: {  	[tilespmem:s21], [sflag:$0x1] =	stream.indirect_vreg.gather [hbm4b:s10+s3], $0x80, v3, vm1, $0xb8;
	[tilespmem:$0x1C280] =	vst v63  }
0x7b: {  	v3 =	vld [tilespmem:$0x20];
	_ =	sdelay $0x4  }
0x7c: {  	v30 =	vshll.u32 v3, $0x3  }
0x7d: {  	v3 =	vand.u32 $0x7, v3;
	v4 =	vand.u32 $0xFFFFFFC0, v30  }
0x7e: {  	v3 =	vor.u32 v3, v4  }
0x7f: {  	v4 =	vperm.xlane v3, v0;
	_ =	sdelay $0x1  }
0x80: {  	v4 =	vadd.s32 v1, v4;
	_ =	sdelay $0x3  }
0x81: {  	s2 =	simm.s32 $0x8200  }
0x82: {  	[tilespmem:s2], [sflag:$0x1] =	stream.indirect_vreg.gather [hbm4b:s1+s3], $0x80, v4, vm1, $0xb8;
	[tilespmem:$0x1C280] =	vst v63  }
0x83: {  	s22 =	simm.s32 $0x8A00;
	v3 =	vperm.xlane v3, v2  }
0x84: {  	[tilespmem:s22], [sflag:$0x1] =	stream.indirect_vreg.gather [hbm4b:s8+s3], $0x80, v4, vm1, $0xb8;
	[tilespmem:$0x1C280] =	vst v63  }
0x85: {  	s23 =	simm.s32 $0x9200;
	v3 =	vadd.s32 v1, v3  }
0x86: {  	[tilespmem:s23], [sflag:$0x1] =	stream.indirect_vreg.gather [hbm4b:s9+s3], $0x80, v4, vm1, $0xb8;
	[tilespmem:$0x1C280] =	vst v63  }
0x87: {  	s24 =	simm.s32 $0x9A00  }
0x88: {  	[tilespmem:s24], [sflag:$0x1] =	stream.indirect_vreg.gather [hbm4b:s10+s3], $0x80, v4, vm1, $0xb8;
	[tilespmem:$0x1C280] =	vst v63  }
0x89: {  	s25 =	simm.s32 $0xA200  }
0x8a: {  	[tilespmem:s25], [sflag:$0x1] =	stream.indirect_vreg.gather [hbm4b:s1+s3], $0x80, v3, vm1, $0xb8;
	[tilespmem:$0x1C280] =	vst v63  }
0x8b: {  	s26 =	simm.s32 $0xAA00  }
0x8c: {  	[tilespmem:s26], [sflag:$0x1] =	stream.indirect_vreg.gather [hbm4b:s8+s3], $0x80, v3, vm1, $0xb8;
	[tilespmem:$0x1C280] =	vst v63  }
0x8d: {  	s28 =	simm.s32 $0xB200  }
0x8e: {  	[tilespmem:s28], [sflag:$0x1] =	stream.indirect_vreg.gather [hbm4b:s9+s3], $0x80, v3, vm1, $0xb8;
	[tilespmem:$0x1C280] =	vst v63  }
0x8f: {  	s30 =	simm.s32 $0xBA00  }
0x90: {  	[tilespmem:s30], [sflag:$0x1] =	stream.indirect_vreg.gather [hbm4b:s10+s3], $0x80, v3, vm1, $0xb8;
	[tilespmem:$0x1C280] =	vst v63  }
0x91: {  	v3 =	vld.msk [tilespmem:$0x30], $0xff;
	_ =	sdelay $0x4  }
0x92: {  	v31 =	vshll.u32 v3, $0x3  }
0x93: {  	v3 =	vand.u32 $0x7, v3;
	v4 =	vand.u32 $0xFFFFFFC0, v31  }
0x94: {  	v3 =	vor.u32 v3, v4  }
0x95: {  	v3 =	vperm.xlane v3, v0;
	_ =	sdelay $0x1  }
0x96: {  	v3 =	vadd.s32 v1, v3;
	_ =	sdelay $0x3  }
0x97: {  	s0 =	simm.s32 $0xC200  }
0x98: {  	[tilespmem:s0], [sflag:$0x1] =	stream.indirect_vreg.gather [hbm4b:s1+s3], $0x80, v3, vm1, $0xb8;
	[tilespmem:$0x1C280] =	vst v63  }
0x99: {  	s14 =	simm.s32 $0xCA00  }
0x9a: {  	[tilespmem:s14], [sflag:$0x1] =	stream.indirect_vreg.gather [hbm4b:s8+s3], $0x80, v3, vm1, $0xb8;
	[tilespmem:$0x1C280] =	vst v63  }
0x9b: {  	s20 =	simm.s32 $0xD200  }
0x9c: {  	[tilespmem:s20], [sflag:$0x1] =	stream.indirect_vreg.gather [hbm4b:s9+s3], $0x80, v3, vm1, $0xb8;
	[tilespmem:$0x1C280] =	vst v63  }
0x9d: {  	s0 =	simm.s32 $0xDA00  }
0x9e: {  	[tilespmem:s0], [sflag:$0x1] =	stream.indirect_vreg.gather [hbm4b:s10+s3], $0x80, v3, vm1, $0xb8;
	[tilespmem:$0x1C280] =	vst v63  }
0x9f: {  	s2 =	simm.s32 $0x80;
	s14 =	rddreg [dreg:$0x8]  }
0xa0: {  	[tilespmem:s2], [sflag:$0x5] =	stream.linear.gather [hbm4b:s14+s3], $0x38, $0x38;
	[tilespmem:$0x1C280] =	vst v63  }
0xa1: {  	_ =	swait.ge [sflag:s12], $0x38  }
0xa2: {  	[sflag:s12] =	ssyncset.done $0x0  }
0xa3: {  	s2 =	simm.s32 $0x180;
	s14 =	rddreg [dreg:$0x9];
	[sflag:s12] =	ssyncadd.s32 $0xFFFFFFC8  }
0xa4: {  	[tilespmem:s2], [sflag:$0x5] =	stream.linear.gather [hbm4b:s14+s3], $0x38, $0x38;
	[tilespmem:$0x1C280] =	vst v63  }
0xa5: {  	_ =	swait.ge [sflag:s12], $0x38  }
0xa6: {  	[sflag:s12] =	ssyncset.done $0x0  }
0xa7: {  	s14 =	simm.s32 $0x1;
	[sflag:s12] =	ssyncadd.s32 $0xFFFFFFC8  }
0xa8: {  	_ =	swait.ge [sflag:s14], $0xE000  }
0xa9: {  	[sflag:s14] =	ssyncset.done $0x0  }
0xaa: {  	[sflag:s14] =	ssyncadd.s32 $0xFFFF2000  }
0xab: {  	v3 =	vld [tilespmem:$0x100];
	_ =	sdelay $0x4  }
0xac: {  	v32 =	vshll.u32 v3, $0x3  }
0xad: {  	v3 =	vand.u32 $0x7, v3;
	v4 =	vand.u32 $0xFFFFFFC0, v32  }
0xae: {  	v3 =	vor.u32 v3, v4  }
0xaf: {  	v4 =	vperm.xlane v3, v0;
	_ =	sdelay $0x1  }
0xb0: {  	v4 =	vadd.s32 v1, v4;
	_ =	sdelay $0x3  }
0xb1: {  	s31 =	simm.s32 $0x200  }
0xb2: {  	[hbm4b:s4+s3] =	stream.indirect_vreg.scatter [tilespmem:s31], [sflag:$0x3], $0x80, v4, vm1, $0xb8;
	[tilespmem:$0x1C280] =	vst v63  }
0xb3: {  	s11 =	simm.s32 $0xA00;
	v3 =	vperm.xlane v3, v2  }
0xb4: {  	[hbm4b:s5+s3] =	stream.indirect_vreg.scatter [tilespmem:s11], [sflag:$0x3], $0x80, v4, vm1, $0xb8;
	[tilespmem:$0x1C280] =	vst v63  }
0xb5: {  	v3 =	vadd.s32 v1, v3;
	s11 =	simm.s32 $0x1200  }
0xb6: {  	[hbm4b:s6+s3] =	stream.indirect_vreg.scatter [tilespmem:s11], [sflag:$0x3], $0x80, v4, vm1, $0xb8;
	[tilespmem:$0x1C280] =	vst v63  }
0xb7: {  	s14 =	simm.s32 $0x1A00  }
0xb8: {  	[hbm4b:s7+s3] =	stream.indirect_vreg.scatter [tilespmem:s14], [sflag:$0x3], $0x80, v4, vm1, $0xb8;
	[tilespmem:$0x1C280] =	vst v63  }
0xb9: {  	s31 =	simm.s32 $0x2200  }
0xba: {  	[hbm4b:s4+s3] =	stream.indirect_vreg.scatter [tilespmem:s31], [sflag:$0x3], $0x80, v3, vm1, $0xb8;
	[tilespmem:$0x1C280] =	vst v63  }
0xbb: {  	s11 =	simm.s32 $0x2A00  }
0xbc: {  	[hbm4b:s5+s3] =	stream.indirect_vreg.scatter [tilespmem:s11], [sflag:$0x3], $0x80, v3, vm1, $0xb8;
	[tilespmem:$0x1C280] =	vst v63  }
0xbd: {  	s14 =	simm.s32 $0x3200  }
0xbe: {  	[hbm4b:s6+s3] =	stream.indirect_vreg.scatter [tilespmem:s14], [sflag:$0x3], $0x80, v3, vm1, $0xb8;
	[tilespmem:$0x1C280] =	vst v63  }
0xbf: {  	s13 =	simm.s32 $0x3A00  }
0xc0: {  	[hbm4b:s7+s3] =	stream.indirect_vreg.scatter [tilespmem:s13], [sflag:$0x3], $0x80, v3, vm1, $0xb8;
	[tilespmem:$0x1C280] =	vst v63  }
0xc1: {  	v3 =	vld [tilespmem:$0x110];
	_ =	sdelay $0x4  }
0xc2: {  	v33 =	vshll.u32 v3, $0x3  }
0xc3: {  	v3 =	vand.u32 $0x7, v3;
	v4 =	vand.u32 $0xFFFFFFC0, v33  }
0xc4: {  	v3 =	vor.u32 v3, v4  }
0xc5: {  	v4 =	vperm.xlane v3, v0;
	_ =	sdelay $0x1  }
0xc6: {  	v4 =	vadd.s32 v1, v4;
	_ =	sdelay $0x3  }
0xc7: {  	s15 =	simm.s32 $0x4200  }
0xc8: {  	[hbm4b:s4+s3] =	stream.indirect_vreg.scatter [tilespmem:s15], [sflag:$0x3], $0x80, v4, vm1, $0xb8;
	[tilespmem:$0x1C280] =	vst v63  }
0xc9: {  	s16 =	simm.s32 $0x4A00;
	v3 =	vperm.xlane v3, v2  }
0xca: {  	[hbm4b:s5+s3] =	stream.indirect_vreg.scatter [tilespmem:s16], [sflag:$0x3], $0x80, v4, vm1, $0xb8;
	[tilespmem:$0x1C280] =	vst v63  }
0xcb: {  	v3 =	vadd.s32 v1, v3;
	s16 =	simm.s32 $0x5200  }
0xcc: {  	[hbm4b:s6+s3] =	stream.indirect_vreg.scatter [tilespmem:s16], [sflag:$0x3], $0x80, v4, vm1, $0xb8;
	[tilespmem:$0x1C280] =	vst v63  }
0xcd: {  	s31 =	simm.s32 $0x5A00  }
0xce: {  	[hbm4b:s7+s3] =	stream.indirect_vreg.scatter [tilespmem:s31], [sflag:$0x3], $0x80, v4, vm1, $0xb8;
	[tilespmem:$0x1C280] =	vst v63  }
0xcf: {  	s29 =	simm.s32 $0x6200  }
0xd0: {  	[hbm4b:s4+s3] =	stream.indirect_vreg.scatter [tilespmem:s29], [sflag:$0x3], $0x80, v3, vm1, $0xb8;
	[tilespmem:$0x1C280] =	vst v63  }
0xd1: {  	s11 =	simm.s32 $0x6A00  }
0xd2: {  	[hbm4b:s5+s3] =	stream.indirect_vreg.scatter [tilespmem:s11], [sflag:$0x3], $0x80, v3, vm1, $0xb8;
	[tilespmem:$0x1C280] =	vst v63  }
0xd3: {  	s13 =	simm.s32 $0x7200  }
0xd4: {  	[hbm4b:s6+s3] =	stream.indirect_vreg.scatter [tilespmem:s13], [sflag:$0x3], $0x80, v3, vm1, $0xb8;
	[tilespmem:$0x1C280] =	vst v63  }
0xd5: {  	s21 =	simm.s32 $0x7A00  }
0xd6: {  	[hbm4b:s7+s3] =	stream.indirect_vreg.scatter [tilespmem:s21], [sflag:$0x3], $0x80, v3, vm1, $0xb8;
	[tilespmem:$0x1C280] =	vst v63  }
0xd7: {  	v3 =	vld [tilespmem:$0x120];
	_ =	sdelay $0x4  }
0xd8: {  	v34 =	vshll.u32 v3, $0x3  }
0xd9: {  	v3 =	vand.u32 $0x7, v3;
	v4 =	vand.u32 $0xFFFFFFC0, v34  }
0xda: {  	v3 =	vor.u32 v3, v4  }
0xdb: {  	v4 =	vperm.xlane v3, v0;
	_ =	sdelay $0x1  }
0xdc: {  	v4 =	vadd.s32 v1, v4;
	_ =	sdelay $0x3  }
0xdd: {  	s17 =	simm.s32 $0x8200  }
0xde: {  	[hbm4b:s4+s3] =	stream.indirect_vreg.scatter [tilespmem:s17], [sflag:$0x3], $0x80, v4, vm1, $0xb8;
	[tilespmem:$0x1C280] =	vst v63  }
0xdf: {  	s18 =	simm.s32 $0x8A00;
	v3 =	vperm.xlane v3, v2  }
0xe0: {  	[hbm4b:s5+s3] =	stream.indirect_vreg.scatter [tilespmem:s18], [sflag:$0x3], $0x80, v4, vm1, $0xb8;
	[tilespmem:$0x1C280] =	vst v63  }
0xe1: {  	s22 =	simm.s32 $0x9200;
	v3 =	vadd.s32 v1, v3  }
0xe2: {  	[hbm4b:s6+s3] =	stream.indirect_vreg.scatter [tilespmem:s22], [sflag:$0x3], $0x80, v4, vm1, $0xb8;
	[tilespmem:$0x1C280] =	vst v63  }
0xe3: {  	s23 =	simm.s32 $0x9A00  }
0xe4: {  	[hbm4b:s7+s3] =	stream.indirect_vreg.scatter [tilespmem:s23], [sflag:$0x3], $0x80, v4, vm1, $0xb8;
	[tilespmem:$0x1C280] =	vst v63  }
0xe5: {  	s24 =	simm.s32 $0xA200  }
0xe6: {  	[hbm4b:s4+s3] =	stream.indirect_vreg.scatter [tilespmem:s24], [sflag:$0x3], $0x80, v3, vm1, $0xb8;
	[tilespmem:$0x1C280] =	vst v63  }
0xe7: {  	s25 =	simm.s32 $0xAA00  }
0xe8: {  	[hbm4b:s5+s3] =	stream.indirect_vreg.scatter [tilespmem:s25], [sflag:$0x3], $0x80, v3, vm1, $0xb8;
	[tilespmem:$0x1C280] =	vst v63  }
0xe9: {  	s26 =	simm.s32 $0xB200  }
0xea: {  	[hbm4b:s6+s3] =	stream.indirect_vreg.scatter [tilespmem:s26], [sflag:$0x3], $0x80, v3, vm1, $0xb8;
	[tilespmem:$0x1C280] =	vst v63  }
0xeb: {  	s19 =	simm.s32 $0xBA00  }
0xec: {  	[hbm4b:s7+s3] =	stream.indirect_vreg.scatter [tilespmem:s19], [sflag:$0x3], $0x80, v3, vm1, $0xb8;
	[tilespmem:$0x1C280] =	vst v63  }
0xed: {  	v3 =	vld.msk [tilespmem:$0x130], $0xff;
	_ =	sdelay $0x4  }
0xee: {  	v35 =	vshll.u32 v3, $0x3  }
0xef: {  	v3 =	vand.u32 $0x7, v3;
	v4 =	vand.u32 $0xFFFFFFC0, v35  }
0xf0: {  	v3 =	vor.u32 v3, v4  }
0xf1: {  	v3 =	vperm.xlane v3, v0;
	_ =	sdelay $0x1  }
0xf2: {  	v3 =	vadd.s32 v1, v3;
	_ =	sdelay $0x3  }
0xf3: {  	s28 =	simm.s32 $0xC200  }
0xf4: {  	[hbm4b:s4+s3] =	stream.indirect_vreg.scatter [tilespmem:s28], [sflag:$0x3], $0x80, v3, vm1, $0xb8;
	[tilespmem:$0x1C280] =	vst v63  }
0xf5: {  	s30 =	simm.s32 $0xCA00  }
0xf6: {  	[hbm4b:s5+s3] =	stream.indirect_vreg.scatter [tilespmem:s30], [sflag:$0x3], $0x80, v3, vm1, $0xb8;
	[tilespmem:$0x1C280] =	vst v63  }
0xf7: {  	s20 =	simm.s32 $0xD200  }
0xf8: {  	[hbm4b:s6+s3] =	stream.indirect_vreg.scatter [tilespmem:s20], [sflag:$0x3], $0x80, v3, vm1, $0xb8;
	[tilespmem:$0x1C280] =	vst v63  }
0xf9: {  	s0 =	simm.s32 $0xDA00  }
0xfa: {  	[hbm4b:s7+s3] =	stream.indirect_vreg.scatter [tilespmem:s0], [sflag:$0x3], $0x80, v3, vm1, $0xb8;
	[tilespmem:$0x1C280] =	vst v63  }
0xfb: {  	v3 =	vld [tilespmem:$0x80];
	_ =	sdelay $0x4  }
0xfc: {  	v36 =	vshll.u32 v3, $0x3  }
0xfd: {  	v3 =	vand.u32 $0x7, v3;
	v4 =	vand.u32 $0xFFFFFFC0, v36  }
0xfe: {  	v3 =	vor.u32 v3, v4  }
0xff: {  	v4 =	vperm.xlane v3, v0;
	_ =	sdelay $0x1  }
0x100: {  	v4 =	vadd.s32 v1, v4;
	_ =	sdelay $0x3  }
0x101: {  	s14 =	simm.s32 $0xE200  }
0x102: {  	[tilespmem:s14], [sflag:$0x2] =	stream.indirect_vreg.gather [hbm4b:s1+s3], $0x80, v4, vm1, $0xb8;
	[tilespmem:$0x1C280] =	vst v63  }
0x103: {  	s15 =	simm.s32 $0xEA00;
	v3 =	vperm.xlane v3, v2  }
0x104: {  	[tilespmem:s15], [sflag:$0x2] =	stream.indirect_vreg.gather [hbm4b:s8+s3], $0x80, v4, vm1, $0xb8;
	[tilespmem:$0x1C280] =	vst v63  }
0x105: {  	s16 =	simm.s32 $0xF200;
	v3 =	vadd.s32 v1, v3  }
0x106: {  	[tilespmem:s16], [sflag:$0x2] =	stream.indirect_vreg.gather [hbm4b:s9+s3], $0x80, v4, vm1, $0xb8;
	[tilespmem:$0x1C280] =	vst v63  }
0x107: {  	s17 =	simm.s32 $0xFA00  }
0x108: {  	[tilespmem:s17], [sflag:$0x2] =	stream.indirect_vreg.gather [hbm4b:s10+s3], $0x80, v4, vm1, $0xb8;
	[tilespmem:$0x1C280] =	vst v63  }
0x109: {  	s18 =	simm.s32 $0x10200  }
0x10a: {  	[tilespmem:s18], [sflag:$0x2] =	stream.indirect_vreg.gather [hbm4b:s1+s3], $0x80, v3, vm1, $0xb8;
	[tilespmem:$0x1C280] =	vst v63  }
0x10b: {  	s19 =	simm.s32 $0x10A00  }
0x10c: {  	[tilespmem:s19], [sflag:$0x2] =	stream.indirect_vreg.gather [hbm4b:s8+s3], $0x80, v3, vm1, $0xb8;
	[tilespmem:$0x1C280] =	vst v63  }
0x10d: {  	s20 =	simm.s32 $0x11200  }
0x10e: {  	[tilespmem:s20], [sflag:$0x2] =	stream.indirect_vreg.gather [hbm4b:s9+s3], $0x80, v3, vm1, $0xb8;
	[tilespmem:$0x1C280] =	vst v63  }
0x10f: {  	s22 =	simm.s32 $0x11A00  }
0x110: {  	[tilespmem:s22], [sflag:$0x2] =	stream.indirect_vreg.gather [hbm4b:s10+s3], $0x80, v3, vm1, $0xb8;
	[tilespmem:$0x1C280] =	vst v63  }
0x111: {  	v3 =	vld [tilespmem:$0x90];
	_ =	sdelay $0x4  }
0x112: {  	v37 =	vshll.u32 v3, $0x3  }
0x113: {  	v3 =	vand.u32 $0x7, v3;
	v4 =	vand.u32 $0xFFFFFFC0, v37  }
0x114: {  	v3 =	vor.u32 v3, v4  }
0x115: {  	v4 =	vperm.xlane v3, v0;
	_ =	sdelay $0x1  }
0x116: {  	v4 =	vadd.s32 v1, v4;
	_ =	sdelay $0x3  }
0x117: {  	s23 =	simm.s32 $0x12200  }
0x118: {  	[tilespmem:s23], [sflag:$0x2] =	stream.indirect_vreg.gather [hbm4b:s1+s3], $0x80, v4, vm1, $0xb8;
	[tilespmem:$0x1C280] =	vst v63  }
0x119: {  	s25 =	simm.s32 $0x12A00;
	v3 =	vperm.xlane v3, v2  }
0x11a: {  	[tilespmem:s25], [sflag:$0x2] =	stream.indirect_vreg.gather [hbm4b:s8+s3], $0x80, v4, vm1, $0xb8;
	[tilespmem:$0x1C280] =	vst v63  }
0x11b: {  	s29 =	simm.s32 $0x13200;
	v3 =	vadd.s32 v1, v3  }
0x11c: {  	[tilespmem:s29], [sflag:$0x2] =	stream.indirect_vreg.gather [hbm4b:s9+s3], $0x80, v4, vm1, $0xb8;
	[tilespmem:$0x1C280] =	vst v63  }
0x11d: {  	s31 =	simm.s32 $0x13A00  }
0x11e: {  	[tilespmem:s31], [sflag:$0x2] =	stream.indirect_vreg.gather [hbm4b:s10+s3], $0x80, v4, vm1, $0xb8;
	[tilespmem:$0x1C280] =	vst v63  }
0x11f: {  	s11 =	simm.s32 $0x14200  }
0x120: {  	[tilespmem:s11], [sflag:$0x2] =	stream.indirect_vreg.gather [hbm4b:s1+s3], $0x80, v3, vm1, $0xb8;
	[tilespmem:$0x1C280] =	vst v63  }
0x121: {  	s14 =	simm.s32 $0x14A00  }
0x122: {  	[tilespmem:s14], [sflag:$0x2] =	stream.indirect_vreg.gather [hbm4b:s8+s3], $0x80, v3, vm1, $0xb8;
	[tilespmem:$0x1C280] =	vst v63  }
0x123: {  	s17 =	simm.s32 $0x15200  }
0x124: {  	[tilespmem:s17], [sflag:$0x2] =	stream.indirect_vreg.gather [hbm4b:s9+s3], $0x80, v3, vm1, $0xb8;
	[tilespmem:$0x1C280] =	vst v63  }
0x125: {  	s18 =	simm.s32 $0x15A00  }
0x126: {  	[tilespmem:s18], [sflag:$0x2] =	stream.indirect_vreg.gather [hbm4b:s10+s3], $0x80, v3, vm1, $0xb8;
	[tilespmem:$0x1C280] =	vst v63  }
0x127: {  	v3 =	vld [tilespmem:$0xA0];
	_ =	sdelay $0x4  }
0x128: {  	v38 =	vshll.u32 v3, $0x3  }
0x129: {  	v3 =	vand.u32 $0x7, v3;
	v4 =	vand.u32 $0xFFFFFFC0, v38  }
0x12a: {  	v3 =	vor.u32 v3, v4  }
0x12b: {  	v4 =	vperm.xlane v3, v0;
	_ =	sdelay $0x1  }
0x12c: {  	v4 =	vadd.s32 v1, v4;
	_ =	sdelay $0x3  }
0x12d: {  	s19 =	simm.s32 $0x16200  }
0x12e: {  	[tilespmem:s19], [sflag:$0x2] =	stream.indirect_vreg.gather [hbm4b:s1+s3], $0x80, v4, vm1, $0xb8;
	[tilespmem:$0x1C280] =	vst v63  }
0x12f: {  	s20 =	simm.s32 $0x16A00;
	v3 =	vperm.xlane v3, v2  }
0x130: {  	[tilespmem:s20], [sflag:$0x2] =	stream.indirect_vreg.gather [hbm4b:s8+s3], $0x80, v4, vm1, $0xb8;
	[tilespmem:$0x1C280] =	vst v63  }
0x131: {  	s22 =	simm.s32 $0x17200;
	v3 =	vadd.s32 v1, v3  }
0x132: {  	[tilespmem:s22], [sflag:$0x2] =	stream.indirect_vreg.gather [hbm4b:s9+s3], $0x80, v4, vm1, $0xb8;
	[tilespmem:$0x1C280] =	vst v63  }
0x133: {  	s23 =	simm.s32 $0x17A00  }
0x134: {  	[tilespmem:s23], [sflag:$0x2] =	stream.indirect_vreg.gather [hbm4b:s10+s3], $0x80, v4, vm1, $0xb8;
	[tilespmem:$0x1C280] =	vst v63  }
0x135: {  	s25 =	simm.s32 $0x18200  }
0x136: {  	[tilespmem:s25], [sflag:$0x2] =	stream.indirect_vreg.gather [hbm4b:s1+s3], $0x80, v3, vm1, $0xb8;
	[tilespmem:$0x1C280] =	vst v63  }
0x137: {  	s11 =	simm.s32 $0x18A00  }
0x138: {  	[tilespmem:s11], [sflag:$0x2] =	stream.indirect_vreg.gather [hbm4b:s8+s3], $0x80, v3, vm1, $0xb8;
	[tilespmem:$0x1C280] =	vst v63  }
0x139: {  	s14 =	simm.s32 $0x19200  }
0x13a: {  	[tilespmem:s14], [sflag:$0x2] =	stream.indirect_vreg.gather [hbm4b:s9+s3], $0x80, v3, vm1, $0xb8;
	[tilespmem:$0x1C280] =	vst v63  }
0x13b: {  	s20 =	simm.s32 $0x19A00  }
0x13c: {  	[tilespmem:s20], [sflag:$0x2] =	stream.indirect_vreg.gather [hbm4b:s10+s3], $0x80, v3, vm1, $0xb8;
	[tilespmem:$0x1C280] =	vst v63  }
0x13d: {  	v3 =	vld.msk [tilespmem:$0xB0], $0xff;
	_ =	sdelay $0x4  }
0x13e: {  	v39 =	vshll.u32 v3, $0x3  }
0x13f: {  	v3 =	vand.u32 $0x7, v3;
	v4 =	vand.u32 $0xFFFFFFC0, v39  }
0x140: {  	v3 =	vor.u32 v3, v4  }
0x141: {  	v3 =	vperm.xlane v3, v0;
	_ =	sdelay $0x1  }
0x142: {  	v3 =	vadd.s32 v1, v3;
	_ =	sdelay $0x3  }
0x143: {  	s22 =	simm.s32 $0x1A200  }
0x144: {  	[tilespmem:s22], [sflag:$0x2] =	stream.indirect_vreg.gather [hbm4b:s1+s3], $0x80, v3, vm1, $0xb8;
	[tilespmem:$0x1C280] =	vst v63  }
0x145: {  	s23 =	simm.s32 $0x1AA00  }
0x146: {  	[tilespmem:s23], [sflag:$0x2] =	stream.indirect_vreg.gather [hbm4b:s8+s3], $0x80, v3, vm1, $0xb8;
	[tilespmem:$0x1C280] =	vst v63  }
0x147: {  	s25 =	simm.s32 $0x1B200  }
0x148: {  	[tilespmem:s25], [sflag:$0x2] =	stream.indirect_vreg.gather [hbm4b:s9+s3], $0x80, v3, vm1, $0xb8;
	[tilespmem:$0x1C280] =	vst v63  }
0x149: {  	s11 =	simm.s32 $0x1BA00;
	s14 =	simm.s32 $0x3  }
0x14a: {  	[tilespmem:s11], [sflag:$0x2] =	stream.indirect_vreg.gather [hbm4b:s10+s3], $0x80, v3, vm1, $0xb8;
	[tilespmem:$0x1C280] =	vst v63  }
0x14b: {  	_ =	swait.ge [sflag:s14], $0xE000  }
0x14c: {  	[sflag:s14] =	ssyncset.done $0x0  }
0x14d: {  	s11 =	rddreg [dreg:$0xa];
	[sflag:s14] =	ssyncadd.s32 $0xFFFF2000  }
0x14e: {  	[tilespmem:s3], [sflag:$0x5] =	stream.linear.gather [hbm4b:s11+s3], $0x38, $0x38;
	[tilespmem:$0x1C280] =	vst v63  }
0x14f: {  	_ =	swait.ge [sflag:s12], $0x38  }
0x150: {  	[sflag:s12] =	ssyncset.done $0x0  }
0x151: {  	s0 =	simm.s32 $0x100;
	s11 =	rddreg [dreg:$0xb];
	[sflag:s12] =	ssyncadd.s32 $0xFFFFFFC8  }
0x152: {  	[tilespmem:s0], [sflag:$0x5] =	stream.linear.gather [hbm4b:s11+s3], $0x38, $0x38;
	[tilespmem:$0x1C280] =	vst v63  }
0x153: {  	_ =	swait.ge [sflag:s12], $0x38  }
0x154: {  	[sflag:s12] =	ssyncset.done $0x0  }
0x155: {  	s14 =	simm.s32 $0x2;
	[sflag:s12] =	ssyncadd.s32 $0xFFFFFFC8  }
0x156: {  	_ =	swait.ge [sflag:s14], $0xE000  }
0x157: {  	[sflag:s14] =	ssyncset.done $0x0  }
0x158: {  	[sflag:s14] =	ssyncadd.s32 $0xFFFF2000  }
0x159: {  	v3 =	vld [tilespmem:$0x180];
	_ =	sdelay $0x4  }
0x15a: {  	v40 =	vshll.u32 v3, $0x3  }
0x15b: {  	v3 =	vand.u32 $0x7, v3;
	v4 =	vand.u32 $0xFFFFFFC0, v40  }
0x15c: {  	v3 =	vor.u32 v3, v4  }
0x15d: {  	v4 =	vperm.xlane v3, v0;
	_ =	sdelay $0x1  }
0x15e: {  	v4 =	vadd.s32 v1, v4;
	_ =	sdelay $0x3  }
0x15f: {  	s2 =	simm.s32 $0xE200  }
0x160: {  	[hbm4b:s4+s3] =	stream.indirect_vreg.scatter [tilespmem:s2], [sflag:$0x4], $0x80, v4, vm1, $0xb8;
	[tilespmem:$0x1C280] =	vst v63  }
0x161: {  	s21 =	simm.s32 $0xEA00;
	v3 =	vperm.xlane v3, v2  }
0x162: {  	[hbm4b:s5+s3] =	stream.indirect_vreg.scatter [tilespmem:s21], [sflag:$0x4], $0x80, v4, vm1, $0xb8;
	[tilespmem:$0x1C280] =	vst v63  }
0x163: {  	s30 =	simm.s32 $0xF200;
	v3 =	vadd.s32 v1, v3  }
0x164: {  	[hbm4b:s6+s3] =	stream.indirect_vreg.scatter [tilespmem:s30], [sflag:$0x4], $0x80, v4, vm1, $0xb8;
	[tilespmem:$0x1C280] =	vst v63  }
0x165: {  	s24 =	simm.s32 $0xFA00  }
0x166: {  	[hbm4b:s7+s3] =	stream.indirect_vreg.scatter [tilespmem:s24], [sflag:$0x4], $0x80, v4, vm1, $0xb8;
	[tilespmem:$0x1C280] =	vst v63  }
0x167: {  	s28 =	simm.s32 $0x10200  }
0x168: {  	[hbm4b:s4+s3] =	stream.indirect_vreg.scatter [tilespmem:s28], [sflag:$0x4], $0x80, v3, vm1, $0xb8;
	[tilespmem:$0x1C280] =	vst v63  }
0x169: {  	s2 =	simm.s32 $0x10A00  }
0x16a: {  	[hbm4b:s5+s3] =	stream.indirect_vreg.scatter [tilespmem:s2], [sflag:$0x4], $0x80, v3, vm1, $0xb8;
	[tilespmem:$0x1C280] =	vst v63  }
0x16b: {  	s26 =	simm.s32 $0x11200  }
0x16c: {  	[hbm4b:s6+s3] =	stream.indirect_vreg.scatter [tilespmem:s26], [sflag:$0x4], $0x80, v3, vm1, $0xb8;
	[tilespmem:$0x1C280] =	vst v63  }
0x16d: {  	s13 =	simm.s32 $0x11A00  }
0x16e: {  	[hbm4b:s7+s3] =	stream.indirect_vreg.scatter [tilespmem:s13], [sflag:$0x4], $0x80, v3, vm1, $0xb8;
	[tilespmem:$0x1C280] =	vst v63  }
0x16f: {  	v3 =	vld [tilespmem:$0x190];
	_ =	sdelay $0x4  }
0x170: {  	v41 =	vshll.u32 v3, $0x3  }
0x171: {  	v3 =	vand.u32 $0x7, v3;
	v4 =	vand.u32 $0xFFFFFFC0, v41  }
0x172: {  	v3 =	vor.u32 v3, v4  }
0x173: {  	v4 =	vperm.xlane v3, v0;
	_ =	sdelay $0x1  }
0x174: {  	v4 =	vadd.s32 v1, v4;
	_ =	sdelay $0x3  }
0x175: {  	s15 =	simm.s32 $0x12200  }
0x176: {  	[hbm4b:s4+s3] =	stream.indirect_vreg.scatter [tilespmem:s15], [sflag:$0x4], $0x80, v4, vm1, $0xb8;
	[tilespmem:$0x1C280] =	vst v63  }
0x177: {  	s16 =	simm.s32 $0x12A00;
	v3 =	vperm.xlane v3, v2  }
0x178: {  	[hbm4b:s5+s3] =	stream.indirect_vreg.scatter [tilespmem:s16], [sflag:$0x4], $0x80, v4, vm1, $0xb8;
	[tilespmem:$0x1C280] =	vst v63  }
0x179: {  	s29 =	simm.s32 $0x13200;
	v3 =	vadd.s32 v1, v3  }
0x17a: {  	[hbm4b:s6+s3] =	stream.indirect_vreg.scatter [tilespmem:s29], [sflag:$0x4], $0x80, v4, vm1, $0xb8;
	[tilespmem:$0x1C280] =	vst v63  }
0x17b: {  	s31 =	simm.s32 $0x13A00  }
0x17c: {  	[hbm4b:s7+s3] =	stream.indirect_vreg.scatter [tilespmem:s31], [sflag:$0x4], $0x80, v4, vm1, $0xb8;
	[tilespmem:$0x1C280] =	vst v63  }
0x17d: {  	s11 =	simm.s32 $0x14200  }
0x17e: {  	[hbm4b:s4+s3] =	stream.indirect_vreg.scatter [tilespmem:s11], [sflag:$0x4], $0x80, v3, vm1, $0xb8;
	[tilespmem:$0x1C280] =	vst v63  }
0x17f: {  	s13 =	simm.s32 $0x14A00  }
0x180: {  	[hbm4b:s5+s3] =	stream.indirect_vreg.scatter [tilespmem:s13], [sflag:$0x4], $0x80, v3, vm1, $0xb8;
	[tilespmem:$0x1C280] =	vst v63  }
0x181: {  	s14 =	simm.s32 $0x15200  }
0x182: {  	[hbm4b:s6+s3] =	stream.indirect_vreg.scatter [tilespmem:s14], [sflag:$0x4], $0x80, v3, vm1, $0xb8;
	[tilespmem:$0x1C280] =	vst v63  }
0x183: {  	s17 =	simm.s32 $0x15A00  }
0x184: {  	[hbm4b:s7+s3] =	stream.indirect_vreg.scatter [tilespmem:s17], [sflag:$0x4], $0x80, v3, vm1, $0xb8;
	[tilespmem:$0x1C280] =	vst v63  }
0x185: {  	v3 =	vld [tilespmem:$0x1A0];
	_ =	sdelay $0x4  }
0x186: {  	v42 =	vshll.u32 v3, $0x3  }
0x187: {  	v3 =	vand.u32 $0x7, v3;
	v4 =	vand.u32 $0xFFFFFFC0, v42  }
0x188: {  	v3 =	vor.u32 v3, v4  }
0x189: {  	v4 =	vperm.xlane v3, v0;
	_ =	sdelay $0x1  }
0x18a: {  	v4 =	vadd.s32 v1, v4;
	_ =	sdelay $0x3  }
0x18b: {  	s18 =	simm.s32 $0x16200  }
0x18c: {  	[hbm4b:s4+s3] =	stream.indirect_vreg.scatter [tilespmem:s18], [sflag:$0x4], $0x80, v4, vm1, $0xb8;
	[tilespmem:$0x1C280] =	vst v63  }
0x18d: {  	s19 =	simm.s32 $0x16A00;
	v3 =	vperm.xlane v3, v2  }
0x18e: {  	[hbm4b:s5+s3] =	stream.indirect_vreg.scatter [tilespmem:s19], [sflag:$0x4], $0x80, v4, vm1, $0xb8;
	[tilespmem:$0x1C280] =	vst v63  }
0x18f: {  	s15 =	simm.s32 $0x17200;
	v3 =	vadd.s32 v1, v3  }
0x190: {  	[hbm4b:s6+s3] =	stream.indirect_vreg.scatter [tilespmem:s15], [sflag:$0x4], $0x80, v4, vm1, $0xb8;
	[tilespmem:$0x1C280] =	vst v63  }
0x191: {  	s16 =	simm.s32 $0x17A00  }
0x192: {  	[hbm4b:s7+s3] =	stream.indirect_vreg.scatter [tilespmem:s16], [sflag:$0x4], $0x80, v4, vm1, $0xb8;
	[tilespmem:$0x1C280] =	vst v63  }
0x193: {  	s17 =	simm.s32 $0x18200  }
0x194: {  	[hbm4b:s4+s3] =	stream.indirect_vreg.scatter [tilespmem:s17], [sflag:$0x4], $0x80, v3, vm1, $0xb8;
	[tilespmem:$0x1C280] =	vst v63  }
0x195: {  	s18 =	simm.s32 $0x18A00  }
0x196: {  	[hbm4b:s5+s3] =	stream.indirect_vreg.scatter [tilespmem:s18], [sflag:$0x4], $0x80, v3, vm1, $0xb8;
	[tilespmem:$0x1C280] =	vst v63  }
0x197: {  	s19 =	simm.s32 $0x19200  }
0x198: {  	[hbm4b:s6+s3] =	stream.indirect_vreg.scatter [tilespmem:s19], [sflag:$0x4], $0x80, v3, vm1, $0xb8;
	[tilespmem:$0x1C280] =	vst v63  }
0x199: {  	s20 =	simm.s32 $0x19A00  }
0x19a: {  	[hbm4b:s7+s3] =	stream.indirect_vreg.scatter [tilespmem:s20], [sflag:$0x4], $0x80, v3, vm1, $0xb8;
	[tilespmem:$0x1C280] =	vst v63  }
0x19b: {  	v3 =	vld.msk [tilespmem:$0x1B0], $0xff;
	_ =	sdelay $0x4  }
0x19c: {  	v43 =	vshll.u32 v3, $0x3  }
0x19d: {  	v3 =	vand.u32 $0x7, v3;
	v4 =	vand.u32 $0xFFFFFFC0, v43  }
0x19e: {  	v3 =	vor.u32 v3, v4  }
0x19f: {  	v3 =	vperm.xlane v3, v0;
	_ =	sdelay $0x1  }
0x1a0: {  	v3 =	vadd.s32 v1, v3;
	_ =	sdelay $0x3  }
0x1a1: {  	s20 =	simm.s32 $0x1A200  }
0x1a2: {  	[hbm4b:s4+s3] =	stream.indirect_vreg.scatter [tilespmem:s20], [sflag:$0x4], $0x80, v3, vm1, $0xb8;
	[tilespmem:$0x1C280] =	vst v63  }
0x1a3: {  	s22 =	simm.s32 $0x1AA00  }
0x1a4: {  	[hbm4b:s5+s3] =	stream.indirect_vreg.scatter [tilespmem:s22], [sflag:$0x4], $0x80, v3, vm1, $0xb8;
	[tilespmem:$0x1C280] =	vst v63  }
0x1a5: {  	s23 =	simm.s32 $0x1B200  }
0x1a6: {  	[hbm4b:s6+s3] =	stream.indirect_vreg.scatter [tilespmem:s23], [sflag:$0x4], $0x80, v3, vm1, $0xb8;
	[tilespmem:$0x1C280] =	vst v63  }
0x1a7: {  	s25 =	simm.s32 $0x1BA00  }
0x1a8: {  	[hbm4b:s7+s3] =	stream.indirect_vreg.scatter [tilespmem:s25], [sflag:$0x4], $0x80, v3, vm1, $0xb8;
	[tilespmem:$0x1C280] =	vst v63  }
0x1a9: {  	v3 =	vld [tilespmem:$0x0];
	_ =	sdelay $0x4  }
0x1aa: {  	v44 =	vshll.u32 v3, $0x3  }
0x1ab: {  	v3 =	vand.u32 $0x7, v3;
	v4 =	vand.u32 $0xFFFFFFC0, v44  }
0x1ac: {  	v3 =	vor.u32 v3, v4  }
0x1ad: {  	v4 =	vperm.xlane v3, v0;
	_ =	sdelay $0x1  }
0x1ae: {  	v4 =	vadd.s32 v1, v4;
	_ =	sdelay $0x3  }
0x1af: {  	s30 =	simm.s32 $0x200  }
0x1b0: {  	[tilespmem:s30], [sflag:$0x1] =	stream.indirect_vreg.gather [hbm4b:s1+s3], $0x80, v4, vm1, $0xb8;
	[tilespmem:$0x1C280] =	vst v63  }
0x1b1: {  	s0 =	simm.s32 $0xA00;
	v3 =	vperm.xlane v3, v2  }
0x1b2: {  	[tilespmem:s0], [sflag:$0x1] =	stream.indirect_vreg.gather [hbm4b:s8+s3], $0x80, v4, vm1, $0xb8;
	[tilespmem:$0x1C280] =	vst v63  }
0x1b3: {  	s21 =	simm.s32 $0x1200;
	v3 =	vadd.s32 v1, v3  }
0x1b4: {  	[tilespmem:s21], [sflag:$0x1] =	stream.indirect_vreg.gather [hbm4b:s9+s3], $0x80, v4, vm1, $0xb8;
	[tilespmem:$0x1C280] =	vst v63  }
0x1b5: {  	s17 =	simm.s32 $0x1A00  }
0x1b6: {  	[tilespmem:s17], [sflag:$0x1] =	stream.indirect_vreg.gather [hbm4b:s10+s3], $0x80, v4, vm1, $0xb8;
	[tilespmem:$0x1C280] =	vst v63  }
0x1b7: {  	s18 =	simm.s32 $0x2200  }
0x1b8: {  	[tilespmem:s18], [sflag:$0x1] =	stream.indirect_vreg.gather [hbm4b:s1+s3], $0x80, v3, vm1, $0xb8;
	[tilespmem:$0x1C280] =	vst v63  }
0x1b9: {  	s25 =	simm.s32 $0x2A00  }
0x1ba: {  	[tilespmem:s25], [sflag:$0x1] =	stream.indirect_vreg.gather [hbm4b:s8+s3], $0x80, v3, vm1, $0xb8;
	[tilespmem:$0x1C280] =	vst v63  }
0x1bb: {  	s28 =	simm.s32 $0x3200  }
0x1bc: {  	[tilespmem:s28], [sflag:$0x1] =	stream.indirect_vreg.gather [hbm4b:s9+s3], $0x80, v3, vm1, $0xb8;
	[tilespmem:$0x1C280] =	vst v63  }
0x1bd: {  	s22 =	simm.s32 $0x3A00  }
0x1be: {  	[tilespmem:s22], [sflag:$0x1] =	stream.indirect_vreg.gather [hbm4b:s10+s3], $0x80, v3, vm1, $0xb8;
	[tilespmem:$0x1C280] =	vst v63  }
0x1bf: {  	v3 =	vld [tilespmem:$0x10];
	_ =	sdelay $0x4  }
0x1c0: {  	v45 =	vshll.u32 v3, $0x3  }
0x1c1: {  	v3 =	vand.u32 $0x7, v3;
	v4 =	vand.u32 $0xFFFFFFC0, v45  }
0x1c2: {  	v3 =	vor.u32 v3, v4  }
0x1c3: {  	v4 =	vperm.xlane v3, v0;
	_ =	sdelay $0x1  }
0x1c4: {  	v4 =	vadd.s32 v1, v4;
	_ =	sdelay $0x3  }
0x1c5: {  	s23 =	simm.s32 $0x4200  }
0x1c6: {  	[tilespmem:s23], [sflag:$0x1] =	stream.indirect_vreg.gather [hbm4b:s1+s3], $0x80, v4, vm1, $0xb8;
	[tilespmem:$0x1C280] =	vst v63  }
0x1c7: {  	s24 =	simm.s32 $0x4A00;
	v3 =	vperm.xlane v3, v2  }
0x1c8: {  	[tilespmem:s24], [sflag:$0x1] =	stream.indirect_vreg.gather [hbm4b:s8+s3], $0x80, v4, vm1, $0xb8;
	[tilespmem:$0x1C280] =	vst v63  }
0x1c9: {  	s11 =	simm.s32 $0x5200;
	v3 =	vadd.s32 v1, v3  }
0x1ca: {  	[tilespmem:s11], [sflag:$0x1] =	stream.indirect_vreg.gather [hbm4b:s9+s3], $0x80, v4, vm1, $0xb8;
	[tilespmem:$0x1C280] =	vst v63  }
0x1cb: {  	s13 =	simm.s32 $0x5A00  }
0x1cc: {  	[tilespmem:s13], [sflag:$0x1] =	stream.indirect_vreg.gather [hbm4b:s10+s3], $0x80, v4, vm1, $0xb8;
	[tilespmem:$0x1C280] =	vst v63  }
0x1cd: {  	s15 =	simm.s32 $0x6200  }
0x1ce: {  	[tilespmem:s15], [sflag:$0x1] =	stream.indirect_vreg.gather [hbm4b:s1+s3], $0x80, v3, vm1, $0xb8;
	[tilespmem:$0x1C280] =	vst v63  }
0x1cf: {  	s19 =	simm.s32 $0x6A00  }
0x1d0: {  	[tilespmem:s19], [sflag:$0x1] =	stream.indirect_vreg.gather [hbm4b:s8+s3], $0x80, v3, vm1, $0xb8;
	[tilespmem:$0x1C280] =	vst v63  }
0x1d1: {  	s20 =	simm.s32 $0x7200  }
0x1d2: {  	[tilespmem:s20], [sflag:$0x1] =	stream.indirect_vreg.gather [hbm4b:s9+s3], $0x80, v3, vm1, $0xb8;
	[tilespmem:$0x1C280] =	vst v63  }
0x1d3: {  	s16 =	simm.s32 $0x7A00  }
0x1d4: {  	[tilespmem:s16], [sflag:$0x1] =	stream.indirect_vreg.gather [hbm4b:s10+s3], $0x80, v3, vm1, $0xb8;
	[tilespmem:$0x1C280] =	vst v63  }
0x1d5: {  	v3 =	vld [tilespmem:$0x20];
	_ =	sdelay $0x4  }
0x1d6: {  	v46 =	vshll.u32 v3, $0x3  }
0x1d7: {  	v3 =	vand.u32 $0x7, v3;
	v4 =	vand.u32 $0xFFFFFFC0, v46  }
0x1d8: {  	v3 =	vor.u32 v3, v4  }
0x1d9: {  	v4 =	vperm.xlane v3, v0;
	_ =	sdelay $0x1  }
0x1da: {  	v4 =	vadd.s32 v1, v4;
	_ =	sdelay $0x3  }
0x1db: {  	s26 =	simm.s32 $0x8200  }
0x1dc: {  	[tilespmem:s26], [sflag:$0x1] =	stream.indirect_vreg.gather [hbm4b:s1+s3], $0x80, v4, vm1, $0xb8;
	[tilespmem:$0x1C280] =	vst v63  }
0x1dd: {  	s29 =	simm.s32 $0x8A00;
	v3 =	vperm.xlane v3, v2  }
0x1de: {  	[tilespmem:s29], [sflag:$0x1] =	stream.indirect_vreg.gather [hbm4b:s8+s3], $0x80, v4, vm1, $0xb8;
	[tilespmem:$0x1C280] =	vst v63  }
0x1df: {  	s21 =	simm.s32 $0x9200;
	v3 =	vadd.s32 v1, v3  }
0x1e0: {  	[tilespmem:s21], [sflag:$0x1] =	stream.indirect_vreg.gather [hbm4b:s9+s3], $0x80, v4, vm1, $0xb8;
	[tilespmem:$0x1C280] =	vst v63  }
0x1e1: {  	s22 =	simm.s32 $0x9A00  }
0x1e2: {  	[tilespmem:s22], [sflag:$0x1] =	stream.indirect_vreg.gather [hbm4b:s10+s3], $0x80, v4, vm1, $0xb8;
	[tilespmem:$0x1C280] =	vst v63  }
0x1e3: {  	s23 =	simm.s32 $0xA200  }
0x1e4: {  	[tilespmem:s23], [sflag:$0x1] =	stream.indirect_vreg.gather [hbm4b:s1+s3], $0x80, v3, vm1, $0xb8;
	[tilespmem:$0x1C280] =	vst v63  }
0x1e5: {  	s24 =	simm.s32 $0xAA00  }
0x1e6: {  	[tilespmem:s24], [sflag:$0x1] =	stream.indirect_vreg.gather [hbm4b:s8+s3], $0x80, v3, vm1, $0xb8;
	[tilespmem:$0x1C280] =	vst v63  }
0x1e7: {  	s26 =	simm.s32 $0xB200  }
0x1e8: {  	[tilespmem:s26], [sflag:$0x1] =	stream.indirect_vreg.gather [hbm4b:s9+s3], $0x80, v3, vm1, $0xb8;
	[tilespmem:$0x1C280] =	vst v63  }
0x1e9: {  	s31 =	simm.s32 $0xBA00  }
0x1ea: {  	[tilespmem:s31], [sflag:$0x1] =	stream.indirect_vreg.gather [hbm4b:s10+s3], $0x80, v3, vm1, $0xb8;
	[tilespmem:$0x1C280] =	vst v63  }
0x1eb: {  	v3 =	vld.msk [tilespmem:$0x30], $0xff;
	_ =	sdelay $0x4  }
0x1ec: {  	v47 =	vshll.u32 v3, $0x3  }
0x1ed: {  	v3 =	vand.u32 $0x7, v3;
	v4 =	vand.u32 $0xFFFFFFC0, v47  }
0x1ee: {  	v3 =	vor.u32 v3, v4  }
0x1ef: {  	v3 =	vperm.xlane v3, v0;
	_ =	sdelay $0x1  }
0x1f0: {  	v3 =	vadd.s32 v1, v3;
	_ =	sdelay $0x3  }
0x1f1: {  	s29 =	simm.s32 $0xC200  }
0x1f2: {  	[tilespmem:s29], [sflag:$0x1] =	stream.indirect_vreg.gather [hbm4b:s1+s3], $0x80, v3, vm1, $0xb8;
	[tilespmem:$0x1C280] =	vst v63  }
0x1f3: {  	s31 =	simm.s32 $0xCA00  }
0x1f4: {  	[tilespmem:s31], [sflag:$0x1] =	stream.indirect_vreg.gather [hbm4b:s8+s3], $0x80, v3, vm1, $0xb8;
	[tilespmem:$0x1C280] =	vst v63  }
0x1f5: {  	s14 =	simm.s32 $0xD200  }
0x1f6: {  	[tilespmem:s14], [sflag:$0x1] =	stream.indirect_vreg.gather [hbm4b:s9+s3], $0x80, v3, vm1, $0xb8;
	[tilespmem:$0x1C280] =	vst v63  }
0x1f7: {  	s2 =	simm.s32 $0x4;
	s14 =	simm.s32 $0xDA00  }
0x1f8: {  	[tilespmem:s14], [sflag:$0x1] =	stream.indirect_vreg.gather [hbm4b:s10+s3], $0x80, v3, vm1, $0xb8;
	[tilespmem:$0x1C280] =	vst v63  }
0x1f9: {  	_ =	swait.ge [sflag:s2], $0xE000  }
0x1fa: {  	[sflag:s2] =	ssyncset.done $0x0  }
0x1fb: {  	s14 =	rddreg [dreg:$0xc];
	[sflag:s2] =	ssyncadd.s32 $0xFFFF2000;
	s2 =	simm.s32 $0x80  }
0x1fc: {  	[tilespmem:s2], [sflag:$0x5] =	stream.linear.gather [hbm4b:s14+s3], $0x38, $0x38;
	[tilespmem:$0x1C280] =	vst v63  }
0x1fd: {  	_ =	swait.ge [sflag:s12], $0x38  }
0x1fe: {  	[sflag:s12] =	ssyncset.done $0x0  }
0x1ff: {  	s2 =	simm.s32 $0x180;
	s14 =	rddreg [dreg:$0xd];
	[sflag:s12] =	ssyncadd.s32 $0xFFFFFFC8  }
0x200: {  	[tilespmem:s2], [sflag:$0x5] =	stream.linear.gather [hbm4b:s14+s3], $0x38, $0x38;
	[tilespmem:$0x1C280] =	vst v63  }
0x201: {  	_ =	swait.ge [sflag:s12], $0x38  }
0x202: {  	[sflag:s12] =	ssyncset.done $0x0  }
0x203: {  	s14 =	simm.s32 $0x1;
	[sflag:s12] =	ssyncadd.s32 $0xFFFFFFC8  }
0x204: {  	_ =	swait.ge [sflag:s14], $0xE000  }
0x205: {  	[sflag:s14] =	ssyncset.done $0x0  }
0x206: {  	[sflag:s14] =	ssyncadd.s32 $0xFFFF2000  }
0x207: {  	v3 =	vld [tilespmem:$0x100];
	_ =	sdelay $0x4  }
0x208: {  	v48 =	vshll.u32 v3, $0x3  }
0x209: {  	v3 =	vand.u32 $0x7, v3;
	v4 =	vand.u32 $0xFFFFFFC0, v48  }
0x20a: {  	v3 =	vor.u32 v3, v4  }
0x20b: {  	v4 =	vperm.xlane v3, v0;
	_ =	sdelay $0x1  }
0x20c: {  	v4 =	vadd.s32 v1, v4;
	_ =	sdelay $0x4  }
0x20d: {  	[hbm4b:s4+s3] =	stream.indirect_vreg.scatter [tilespmem:s30], [sflag:$0x3], $0x80, v4, vm1, $0xb8;
	[tilespmem:$0x1C280] =	vst v63  }
0x20e: {  	v3 =	vperm.xlane v3, v2  }
0x20f: {  	[hbm4b:s5+s3] =	stream.indirect_vreg.scatter [tilespmem:s0], [sflag:$0x3], $0x80, v4, vm1, $0xb8;
	[tilespmem:$0x1C280] =	vst v63  }
0x210: {  	s14 =	simm.s32 $0x1200;
	v3 =	vadd.s32 v1, v3  }
0x211: {  	[hbm4b:s6+s3] =	stream.indirect_vreg.scatter [tilespmem:s14], [sflag:$0x3], $0x80, v4, vm1, $0xb8;
	[tilespmem:$0x1C280] =	vst v63  }
0x212: {  	_ = 	snop  }
0x213: {  	[hbm4b:s7+s3] =	stream.indirect_vreg.scatter [tilespmem:s17], [sflag:$0x3], $0x80, v4, vm1, $0xb8;
	[tilespmem:$0x1C280] =	vst v63  }
0x214: {  	_ = 	snop  }
0x215: {  	[hbm4b:s4+s3] =	stream.indirect_vreg.scatter [tilespmem:s18], [sflag:$0x3], $0x80, v3, vm1, $0xb8;
	[tilespmem:$0x1C280] =	vst v63  }
0x216: {  	_ = 	snop  }
0x217: {  	[hbm4b:s5+s3] =	stream.indirect_vreg.scatter [tilespmem:s25], [sflag:$0x3], $0x80, v3, vm1, $0xb8;
	[tilespmem:$0x1C280] =	vst v63  }
0x218: {  	_ = 	snop  }
0x219: {  	[hbm4b:s6+s3] =	stream.indirect_vreg.scatter [tilespmem:s28], [sflag:$0x3], $0x80, v3, vm1, $0xb8;
	[tilespmem:$0x1C280] =	vst v63  }
0x21a: {  	s30 =	simm.s32 $0x3A00  }
0x21b: {  	[hbm4b:s7+s3] =	stream.indirect_vreg.scatter [tilespmem:s30], [sflag:$0x3], $0x80, v3, vm1, $0xb8;
	[tilespmem:$0x1C280] =	vst v63  }
0x21c: {  	v3 =	vld [tilespmem:$0x110];
	_ =	sdelay $0x4  }
0x21d: {  	v49 =	vshll.u32 v3, $0x3  }
0x21e: {  	v3 =	vand.u32 $0x7, v3;
	v4 =	vand.u32 $0xFFFFFFC0, v49  }
0x21f: {  	v3 =	vor.u32 v3, v4  }
0x220: {  	v4 =	vperm.xlane v3, v0;
	_ =	sdelay $0x1  }
0x221: {  	v4 =	vadd.s32 v1, v4;
	_ =	sdelay $0x3  }
0x222: {  	s2 =	simm.s32 $0x4200  }
0x223: {  	[hbm4b:s4+s3] =	stream.indirect_vreg.scatter [tilespmem:s2], [sflag:$0x3], $0x80, v4, vm1, $0xb8;
	[tilespmem:$0x1C280] =	vst v63  }
0x224: {  	s14 =	simm.s32 $0x4A00;
	v3 =	vperm.xlane v3, v2  }
0x225: {  	[hbm4b:s5+s3] =	stream.indirect_vreg.scatter [tilespmem:s14], [sflag:$0x3], $0x80, v4, vm1, $0xb8;
	[tilespmem:$0x1C280] =	vst v63  }
0x226: {  	v3 =	vadd.s32 v1, v3  }
0x227: {  	[hbm4b:s6+s3] =	stream.indirect_vreg.scatter [tilespmem:s11], [sflag:$0x3], $0x80, v4, vm1, $0xb8;
	[tilespmem:$0x1C280] =	vst v63  }
0x228: {  	_ = 	snop  }
0x229: {  	[hbm4b:s7+s3] =	stream.indirect_vreg.scatter [tilespmem:s13], [sflag:$0x3], $0x80, v4, vm1, $0xb8;
	[tilespmem:$0x1C280] =	vst v63  }
0x22a: {  	_ = 	snop  }
0x22b: {  	[hbm4b:s4+s3] =	stream.indirect_vreg.scatter [tilespmem:s15], [sflag:$0x3], $0x80, v3, vm1, $0xb8;
	[tilespmem:$0x1C280] =	vst v63  }
0x22c: {  	_ = 	snop  }
0x22d: {  	[hbm4b:s5+s3] =	stream.indirect_vreg.scatter [tilespmem:s19], [sflag:$0x3], $0x80, v3, vm1, $0xb8;
	[tilespmem:$0x1C280] =	vst v63  }
0x22e: {  	_ = 	snop  }
0x22f: {  	[hbm4b:s6+s3] =	stream.indirect_vreg.scatter [tilespmem:s20], [sflag:$0x3], $0x80, v3, vm1, $0xb8;
	[tilespmem:$0x1C280] =	vst v63  }
0x230: {  	_ = 	snop  }
0x231: {  	[hbm4b:s7+s3] =	stream.indirect_vreg.scatter [tilespmem:s16], [sflag:$0x3], $0x80, v3, vm1, $0xb8;
	[tilespmem:$0x1C280] =	vst v63  }
0x232: {  	v3 =	vld [tilespmem:$0x120];
	_ =	sdelay $0x4  }
0x233: {  	v50 =	vshll.u32 v3, $0x3  }
0x234: {  	v3 =	vand.u32 $0x7, v3;
	v4 =	vand.u32 $0xFFFFFFC0, v50  }
0x235: {  	v3 =	vor.u32 v3, v4  }
0x236: {  	v4 =	vperm.xlane v3, v0;
	_ =	sdelay $0x1  }
0x237: {  	v4 =	vadd.s32 v1, v4;
	_ =	sdelay $0x3  }
0x238: {  	s16 =	simm.s32 $0x8200  }
0x239: {  	[hbm4b:s4+s3] =	stream.indirect_vreg.scatter [tilespmem:s16], [sflag:$0x3], $0x80, v4, vm1, $0xb8;
	[tilespmem:$0x1C280] =	vst v63  }
0x23a: {  	s17 =	simm.s32 $0x8A00;
	v3 =	vperm.xlane v3, v2  }
0x23b: {  	[hbm4b:s5+s3] =	stream.indirect_vreg.scatter [tilespmem:s17], [sflag:$0x3], $0x80, v4, vm1, $0xb8;
	[tilespmem:$0x1C280] =	vst v63  }
0x23c: {  	v3 =	vadd.s32 v1, v3  }
0x23d: {  	[hbm4b:s6+s3] =	stream.indirect_vreg.scatter [tilespmem:s21], [sflag:$0x3], $0x80, v4, vm1, $0xb8;
	[tilespmem:$0x1C280] =	vst v63  }
0x23e: {  	_ = 	snop  }
0x23f: {  	[hbm4b:s7+s3] =	stream.indirect_vreg.scatter [tilespmem:s22], [sflag:$0x3], $0x80, v4, vm1, $0xb8;
	[tilespmem:$0x1C280] =	vst v63  }
0x240: {  	_ = 	snop  }
0x241: {  	[hbm4b:s4+s3] =	stream.indirect_vreg.scatter [tilespmem:s23], [sflag:$0x3], $0x80, v3, vm1, $0xb8;
	[tilespmem:$0x1C280] =	vst v63  }
0x242: {  	_ = 	snop  }
0x243: {  	[hbm4b:s5+s3] =	stream.indirect_vreg.scatter [tilespmem:s24], [sflag:$0x3], $0x80, v3, vm1, $0xb8;
	[tilespmem:$0x1C280] =	vst v63  }
0x244: {  	_ = 	snop  }
0x245: {  	[hbm4b:s6+s3] =	stream.indirect_vreg.scatter [tilespmem:s26], [sflag:$0x3], $0x80, v3, vm1, $0xb8;
	[tilespmem:$0x1C280] =	vst v63  }
0x246: {  	s18 =	simm.s32 $0xBA00  }
0x247: {  	[hbm4b:s7+s3] =	stream.indirect_vreg.scatter [tilespmem:s18], [sflag:$0x3], $0x80, v3, vm1, $0xb8;
	[tilespmem:$0x1C280] =	vst v63  }
0x248: {  	v3 =	vld.msk [tilespmem:$0x130], $0xff;
	_ =	sdelay $0x4  }
0x249: {  	v51 =	vshll.u32 v3, $0x3  }
0x24a: {  	v3 =	vand.u32 $0x7, v3;
	v4 =	vand.u32 $0xFFFFFFC0, v51  }
0x24b: {  	v3 =	vor.u32 v3, v4  }
0x24c: {  	v3 =	vperm.xlane v3, v0;
	_ =	sdelay $0x1  }
0x24d: {  	v3 =	vadd.s32 v1, v3;
	_ =	sdelay $0x4  }
0x24e: {  	[hbm4b:s4+s3] =	stream.indirect_vreg.scatter [tilespmem:s29], [sflag:$0x3], $0x80, v3, vm1, $0xb8;
	[tilespmem:$0x1C280] =	vst v63  }
0x24f: {  	_ = 	snop  }
0x250: {  	[hbm4b:s5+s3] =	stream.indirect_vreg.scatter [tilespmem:s31], [sflag:$0x3], $0x80, v3, vm1, $0xb8;
	[tilespmem:$0x1C280] =	vst v63  }
0x251: {  	s19 =	simm.s32 $0xD200  }
0x252: {  	[hbm4b:s6+s3] =	stream.indirect_vreg.scatter [tilespmem:s19], [sflag:$0x3], $0x80, v3, vm1, $0xb8;
	[tilespmem:$0x1C280] =	vst v63  }
0x253: {  	s20 =	simm.s32 $0xDA00  }
0x254: {  	[hbm4b:s7+s3] =	stream.indirect_vreg.scatter [tilespmem:s20], [sflag:$0x3], $0x80, v3, vm1, $0xb8;
	[tilespmem:$0x1C280] =	vst v63  }
0x255: {  	v3 =	vld [tilespmem:$0x80];
	_ =	sdelay $0x4  }
0x256: {  	v52 =	vshll.u32 v3, $0x3  }
0x257: {  	v3 =	vand.u32 $0x7, v3;
	v4 =	vand.u32 $0xFFFFFFC0, v52  }
0x258: {  	v3 =	vor.u32 v3, v4  }
0x259: {  	v4 =	vperm.xlane v3, v0;
	_ =	sdelay $0x1  }
0x25a: {  	v4 =	vadd.s32 v1, v4;
	_ =	sdelay $0x3  }
0x25b: {  	s28 =	simm.s32 $0xE200  }
0x25c: {  	[tilespmem:s28], [sflag:$0x2] =	stream.indirect_vreg.gather [hbm4b:s1+s3], $0x80, v4, vm1, $0xb8;
	[tilespmem:$0x1C280] =	vst v63  }
0x25d: {  	s0 =	simm.s32 $0xEA00;
	v3 =	vperm.xlane v3, v2  }
0x25e: {  	[tilespmem:s0], [sflag:$0x2] =	stream.indirect_vreg.gather [hbm4b:s8+s3], $0x80, v4, vm1, $0xb8;
	[tilespmem:$0x1C280] =	vst v63  }
0x25f: {  	s13 =	simm.s32 $0xF200;
	v3 =	vadd.s32 v1, v3  }
0x260: {  	[tilespmem:s13], [sflag:$0x2] =	stream.indirect_vreg.gather [hbm4b:s9+s3], $0x80, v4, vm1, $0xb8;
	[tilespmem:$0x1C280] =	vst v63  }
0x261: {  	s21 =	simm.s32 $0xFA00  }
0x262: {  	[tilespmem:s21], [sflag:$0x2] =	stream.indirect_vreg.gather [hbm4b:s10+s3], $0x80, v4, vm1, $0xb8;
	[tilespmem:$0x1C280] =	vst v63  }
0x263: {  	s22 =	simm.s32 $0x10200  }
0x264: {  	[tilespmem:s22], [sflag:$0x2] =	stream.indirect_vreg.gather [hbm4b:s1+s3], $0x80, v3, vm1, $0xb8;
	[tilespmem:$0x1C280] =	vst v63  }
0x265: {  	s25 =	simm.s32 $0x10A00  }
0x266: {  	[tilespmem:s25], [sflag:$0x2] =	stream.indirect_vreg.gather [hbm4b:s8+s3], $0x80, v3, vm1, $0xb8;
	[tilespmem:$0x1C280] =	vst v63  }
0x267: {  	s15 =	simm.s32 $0x11200  }
0x268: {  	[tilespmem:s15], [sflag:$0x2] =	stream.indirect_vreg.gather [hbm4b:s9+s3], $0x80, v3, vm1, $0xb8;
	[tilespmem:$0x1C280] =	vst v63  }
0x269: {  	s2 =	simm.s32 $0x11A00  }
0x26a: {  	[tilespmem:s2], [sflag:$0x2] =	stream.indirect_vreg.gather [hbm4b:s10+s3], $0x80, v3, vm1, $0xb8;
	[tilespmem:$0x1C280] =	vst v63  }
0x26b: {  	v3 =	vld [tilespmem:$0x90];
	_ =	sdelay $0x4  }
0x26c: {  	v53 =	vshll.u32 v3, $0x3  }
0x26d: {  	v3 =	vand.u32 $0x7, v3;
	v4 =	vand.u32 $0xFFFFFFC0, v53  }
0x26e: {  	v3 =	vor.u32 v3, v4  }
0x26f: {  	v4 =	vperm.xlane v3, v0;
	_ =	sdelay $0x1  }
0x270: {  	v4 =	vadd.s32 v1, v4;
	_ =	sdelay $0x3  }
0x271: {  	s23 =	simm.s32 $0x12200  }
0x272: {  	[tilespmem:s23], [sflag:$0x2] =	stream.indirect_vreg.gather [hbm4b:s1+s3], $0x80, v4, vm1, $0xb8;
	[tilespmem:$0x1C280] =	vst v63  }
0x273: {  	s24 =	simm.s32 $0x12A00;
	v3 =	vperm.xlane v3, v2  }
0x274: {  	[tilespmem:s24], [sflag:$0x2] =	stream.indirect_vreg.gather [hbm4b:s8+s3], $0x80, v4, vm1, $0xb8;
	[tilespmem:$0x1C280] =	vst v63  }
0x275: {  	s16 =	simm.s32 $0x13200;
	v3 =	vadd.s32 v1, v3  }
0x276: {  	[tilespmem:s16], [sflag:$0x2] =	stream.indirect_vreg.gather [hbm4b:s9+s3], $0x80, v4, vm1, $0xb8;
	[tilespmem:$0x1C280] =	vst v63  }
0x277: {  	s17 =	simm.s32 $0x13A00  }
0x278: {  	[tilespmem:s17], [sflag:$0x2] =	stream.indirect_vreg.gather [hbm4b:s10+s3], $0x80, v4, vm1, $0xb8;
	[tilespmem:$0x1C280] =	vst v63  }
0x279: {  	s18 =	simm.s32 $0x14200  }
0x27a: {  	[tilespmem:s18], [sflag:$0x2] =	stream.indirect_vreg.gather [hbm4b:s1+s3], $0x80, v3, vm1, $0xb8;
	[tilespmem:$0x1C280] =	vst v63  }
0x27b: {  	s19 =	simm.s32 $0x14A00  }
0x27c: {  	[tilespmem:s19], [sflag:$0x2] =	stream.indirect_vreg.gather [hbm4b:s8+s3], $0x80, v3, vm1, $0xb8;
	[tilespmem:$0x1C280] =	vst v63  }
0x27d: {  	s20 =	simm.s32 $0x15200  }
0x27e: {  	[tilespmem:s20], [sflag:$0x2] =	stream.indirect_vreg.gather [hbm4b:s9+s3], $0x80, v3, vm1, $0xb8;
	[tilespmem:$0x1C280] =	vst v63  }
0x27f: {  	s26 =	simm.s32 $0x15A00  }
0x280: {  	[tilespmem:s26], [sflag:$0x2] =	stream.indirect_vreg.gather [hbm4b:s10+s3], $0x80, v3, vm1, $0xb8;
	[tilespmem:$0x1C280] =	vst v63  }
0x281: {  	v3 =	vld [tilespmem:$0xA0];
	_ =	sdelay $0x4  }
0x282: {  	v54 =	vshll.u32 v3, $0x3  }
0x283: {  	v3 =	vand.u32 $0x7, v3;
	v4 =	vand.u32 $0xFFFFFFC0, v54  }
0x284: {  	v3 =	vor.u32 v3, v4  }
0x285: {  	v4 =	vperm.xlane v3, v0;
	_ =	sdelay $0x1  }
0x286: {  	v4 =	vadd.s32 v1, v4;
	_ =	sdelay $0x3  }
0x287: {  	s29 =	simm.s32 $0x16200  }
0x288: {  	[tilespmem:s29], [sflag:$0x2] =	stream.indirect_vreg.gather [hbm4b:s1+s3], $0x80, v4, vm1, $0xb8;
	[tilespmem:$0x1C280] =	vst v63  }
0x289: {  	s30 =	simm.s32 $0x16A00;
	v3 =	vperm.xlane v3, v2  }
0x28a: {  	[tilespmem:s30], [sflag:$0x2] =	stream.indirect_vreg.gather [hbm4b:s8+s3], $0x80, v4, vm1, $0xb8;
	[tilespmem:$0x1C280] =	vst v63  }
0x28b: {  	s21 =	simm.s32 $0x17200;
	v3 =	vadd.s32 v1, v3  }
0x28c: {  	[tilespmem:s21], [sflag:$0x2] =	stream.indirect_vreg.gather [hbm4b:s9+s3], $0x80, v4, vm1, $0xb8;
	[tilespmem:$0x1C280] =	vst v63  }
0x28d: {  	s22 =	simm.s32 $0x17A00  }
0x28e: {  	[tilespmem:s22], [sflag:$0x2] =	stream.indirect_vreg.gather [hbm4b:s10+s3], $0x80, v4, vm1, $0xb8;
	[tilespmem:$0x1C280] =	vst v63  }
0x28f: {  	s23 =	simm.s32 $0x18200  }
0x290: {  	[tilespmem:s23], [sflag:$0x2] =	stream.indirect_vreg.gather [hbm4b:s1+s3], $0x80, v3, vm1, $0xb8;
	[tilespmem:$0x1C280] =	vst v63  }
0x291: {  	s24 =	simm.s32 $0x18A00  }
0x292: {  	[tilespmem:s24], [sflag:$0x2] =	stream.indirect_vreg.gather [hbm4b:s8+s3], $0x80, v3, vm1, $0xb8;
	[tilespmem:$0x1C280] =	vst v63  }
0x293: {  	s26 =	simm.s32 $0x19200  }
0x294: {  	[tilespmem:s26], [sflag:$0x2] =	stream.indirect_vreg.gather [hbm4b:s9+s3], $0x80, v3, vm1, $0xb8;
	[tilespmem:$0x1C280] =	vst v63  }
0x295: {  	s31 =	simm.s32 $0x19A00  }
0x296: {  	[tilespmem:s31], [sflag:$0x2] =	stream.indirect_vreg.gather [hbm4b:s10+s3], $0x80, v3, vm1, $0xb8;
	[tilespmem:$0x1C280] =	vst v63  }
0x297: {  	v3 =	vld.msk [tilespmem:$0xB0], $0xff;
	_ =	sdelay $0x4  }
0x298: {  	v55 =	vshll.u32 v3, $0x3  }
0x299: {  	v3 =	vand.u32 $0x7, v3;
	v4 =	vand.u32 $0xFFFFFFC0, v55  }
0x29a: {  	v3 =	vor.u32 v3, v4  }
0x29b: {  	v3 =	vperm.xlane v3, v0;
	_ =	sdelay $0x1  }
0x29c: {  	v3 =	vadd.s32 v1, v3;
	_ =	sdelay $0x3  }
0x29d: {  	s29 =	simm.s32 $0x1A200  }
0x29e: {  	[tilespmem:s29], [sflag:$0x2] =	stream.indirect_vreg.gather [hbm4b:s1+s3], $0x80, v3, vm1, $0xb8;
	[tilespmem:$0x1C280] =	vst v63  }
0x29f: {  	s30 =	simm.s32 $0x1AA00  }
0x2a0: {  	[tilespmem:s30], [sflag:$0x2] =	stream.indirect_vreg.gather [hbm4b:s8+s3], $0x80, v3, vm1, $0xb8;
	[tilespmem:$0x1C280] =	vst v63  }
0x2a1: {  	s31 =	simm.s32 $0x1B200  }
0x2a2: {  	[tilespmem:s31], [sflag:$0x2] =	stream.indirect_vreg.gather [hbm4b:s9+s3], $0x80, v3, vm1, $0xb8;
	[tilespmem:$0x1C280] =	vst v63  }
0x2a3: {  	s14 =	simm.s32 $0x1BA00;
	s11 =	simm.s32 $0x3  }
0x2a4: {  	[tilespmem:s14], [sflag:$0x2] =	stream.indirect_vreg.gather [hbm4b:s10+s3], $0x80, v3, vm1, $0xb8;
	[tilespmem:$0x1C280] =	vst v63  }
0x2a5: {  	_ =	swait.ge [sflag:s11], $0xE000  }
0x2a6: {  	[sflag:s11] =	ssyncset.done $0x0  }
0x2a7: {  	s14 =	rddreg [dreg:$0xe];
	[sflag:s11] =	ssyncadd.s32 $0xFFFF2000  }
0x2a8: {  	[tilespmem:s3], [sflag:$0x5] =	stream.linear.gather [hbm4b:s14+s3], $0x20, $0x38;
	[tilespmem:$0x1C280] =	vst v63  }
0x2a9: {  	_ =	swait.ge [sflag:s12], $0x20  }
0x2aa: {  	[sflag:s12] =	ssyncset.done $0x0  }
0x2ab: {  	s11 =	simm.s32 $0x100;
	s14 =	rddreg [dreg:$0xf];
	[sflag:s12] =	ssyncadd.s32 $0xFFFFFFE0  }
0x2ac: {  	[tilespmem:s11], [sflag:$0x5] =	stream.linear.gather [hbm4b:s14+s3], $0x20, $0x38;
	[tilespmem:$0x1C280] =	vst v63  }
0x2ad: {  	_ =	swait.ge [sflag:s12], $0x20  }
0x2ae: {  	[sflag:s12] =	ssyncset.done $0x0  }
0x2af: {  	s14 =	simm.s32 $0x2;
	[sflag:s12] =	ssyncadd.s32 $0xFFFFFFE0  }
0x2b0: {  	_ =	swait.ge [sflag:s14], $0xE000  }
0x2b1: {  	[sflag:s14] =	ssyncset.done $0x0  }
0x2b2: {  	[sflag:s14] =	ssyncadd.s32 $0xFFFF2000  }
0x2b3: {  	v3 =	vld [tilespmem:$0x180];
	_ =	sdelay $0x4  }
0x2b4: {  	v56 =	vshll.u32 v3, $0x3  }
0x2b5: {  	v3 =	vand.u32 $0x7, v3;
	v4 =	vand.u32 $0xFFFFFFC0, v56  }
0x2b6: {  	v3 =	vor.u32 v3, v4  }
0x2b7: {  	v4 =	vperm.xlane v3, v0;
	_ =	sdelay $0x1  }
0x2b8: {  	v4 =	vadd.s32 v1, v4;
	_ =	sdelay $0x4  }
0x2b9: {  	[hbm4b:s4+s3] =	stream.indirect_vreg.scatter [tilespmem:s28], [sflag:$0x4], $0x80, v4, vm1, $0xb8;
	[tilespmem:$0x1C280] =	vst v63  }
0x2ba: {  	v3 =	vperm.xlane v3, v2  }
0x2bb: {  	[hbm4b:s5+s3] =	stream.indirect_vreg.scatter [tilespmem:s0], [sflag:$0x4], $0x80, v4, vm1, $0xb8;
	[tilespmem:$0x1C280] =	vst v63  }
0x2bc: {  	v3 =	vadd.s32 v1, v3  }
0x2bd: {  	[hbm4b:s6+s3] =	stream.indirect_vreg.scatter [tilespmem:s13], [sflag:$0x4], $0x80, v4, vm1, $0xb8;
	[tilespmem:$0x1C280] =	vst v63  }
0x2be: {  	s11 =	simm.s32 $0xFA00  }
0x2bf: {  	[hbm4b:s7+s3] =	stream.indirect_vreg.scatter [tilespmem:s11], [sflag:$0x4], $0x80, v4, vm1, $0xb8;
	[tilespmem:$0x1C280] =	vst v63  }
0x2c0: {  	s13 =	simm.s32 $0x10200  }
0x2c1: {  	[hbm4b:s4+s3] =	stream.indirect_vreg.scatter [tilespmem:s13], [sflag:$0x4], $0x80, v3, vm1, $0xb8;
	[tilespmem:$0x1C280] =	vst v63  }
0x2c2: {  	_ = 	snop  }
0x2c3: {  	[hbm4b:s5+s3] =	stream.indirect_vreg.scatter [tilespmem:s25], [sflag:$0x4], $0x80, v3, vm1, $0xb8;
	[tilespmem:$0x1C280] =	vst v63  }
0x2c4: {  	_ = 	snop  }
0x2c5: {  	[hbm4b:s6+s3] =	stream.indirect_vreg.scatter [tilespmem:s15], [sflag:$0x4], $0x80, v3, vm1, $0xb8;
	[tilespmem:$0x1C280] =	vst v63  }
0x2c6: {  	_ = 	snop  }
0x2c7: {  	[hbm4b:s7+s3] =	stream.indirect_vreg.scatter [tilespmem:s2], [sflag:$0x4], $0x80, v3, vm1, $0xb8;
	[tilespmem:$0x1C280] =	vst v63  }
0x2c8: {  	v3 =	vld [tilespmem:$0x190];
	_ =	sdelay $0x4  }
0x2c9: {  	v57 =	vshll.u32 v3, $0x3  }
0x2ca: {  	v3 =	vand.u32 $0x7, v3;
	v4 =	vand.u32 $0xFFFFFFC0, v57  }
0x2cb: {  	v3 =	vor.u32 v3, v4  }
0x2cc: {  	v4 =	vperm.xlane v3, v0;
	_ =	sdelay $0x1  }
0x2cd: {  	v4 =	vadd.s32 v1, v4;
	_ =	sdelay $0x3  }
0x2ce: {  	s14 =	simm.s32 $0x12200  }
0x2cf: {  	[hbm4b:s4+s3] =	stream.indirect_vreg.scatter [tilespmem:s14], [sflag:$0x4], $0x80, v4, vm1, $0xb8;
	[tilespmem:$0x1C280] =	vst v63  }
0x2d0: {  	s15 =	simm.s32 $0x12A00;
	v3 =	vperm.xlane v3, v2  }
0x2d1: {  	[hbm4b:s5+s3] =	stream.indirect_vreg.scatter [tilespmem:s15], [sflag:$0x4], $0x80, v4, vm1, $0xb8;
	[tilespmem:$0x1C280] =	vst v63  }
0x2d2: {  	v3 =	vadd.s32 v1, v3  }
0x2d3: {  	[hbm4b:s6+s3] =	stream.indirect_vreg.scatter [tilespmem:s16], [sflag:$0x4], $0x80, v4, vm1, $0xb8;
	[tilespmem:$0x1C280] =	vst v63  }
0x2d4: {  	_ = 	snop  }
0x2d5: {  	[hbm4b:s7+s3] =	stream.indirect_vreg.scatter [tilespmem:s17], [sflag:$0x4], $0x80, v4, vm1, $0xb8;
	[tilespmem:$0x1C280] =	vst v63  }
0x2d6: {  	_ = 	snop  }
0x2d7: {  	[hbm4b:s4+s3] =	stream.indirect_vreg.scatter [tilespmem:s18], [sflag:$0x4], $0x80, v3, vm1, $0xb8;
	[tilespmem:$0x1C280] =	vst v63  }
0x2d8: {  	_ = 	snop  }
0x2d9: {  	[hbm4b:s5+s3] =	stream.indirect_vreg.scatter [tilespmem:s19], [sflag:$0x4], $0x80, v3, vm1, $0xb8;
	[tilespmem:$0x1C280] =	vst v63  }
0x2da: {  	_ = 	snop  }
0x2db: {  	[hbm4b:s6+s3] =	stream.indirect_vreg.scatter [tilespmem:s20], [sflag:$0x4], $0x80, v3, vm1, $0xb8;
	[tilespmem:$0x1C280] =	vst v63  }
0x2dc: {  	s19 =	simm.s32 $0x15A00  }
0x2dd: {  	[hbm4b:s7+s3] =	stream.indirect_vreg.scatter [tilespmem:s19], [sflag:$0x4], $0x80, v3, vm1, $0xb8;
	[tilespmem:$0x1C280] =	vst v63  }
0x2de: {  	v3 =	vld [tilespmem:$0x1A0];
	_ =	sdelay $0x4  }
0x2df: {  	v58 =	vshll.u32 v3, $0x3  }
0x2e0: {  	v3 =	vand.u32 $0x7, v3;
	v4 =	vand.u32 $0xFFFFFFC0, v58  }
0x2e1: {  	v3 =	vor.u32 v3, v4  }
0x2e2: {  	v4 =	vperm.xlane v3, v0;
	_ =	sdelay $0x1  }
0x2e3: {  	v4 =	vadd.s32 v1, v4;
	_ =	sdelay $0x3  }
0x2e4: {  	s20 =	simm.s32 $0x16200  }
0x2e5: {  	[hbm4b:s4+s3] =	stream.indirect_vreg.scatter [tilespmem:s20], [sflag:$0x4], $0x80, v4, vm1, $0xb8;
	[tilespmem:$0x1C280] =	vst v63  }
0x2e6: {  	s25 =	simm.s32 $0x16A00;
	v3 =	vperm.xlane v3, v2  }
0x2e7: {  	[hbm4b:s5+s3] =	stream.indirect_vreg.scatter [tilespmem:s25], [sflag:$0x4], $0x80, v4, vm1, $0xb8;
	[tilespmem:$0x1C280] =	vst v63  }
0x2e8: {  	v3 =	vadd.s32 v1, v3  }
0x2e9: {  	[hbm4b:s6+s3] =	stream.indirect_vreg.scatter [tilespmem:s21], [sflag:$0x4], $0x80, v4, vm1, $0xb8;
	[tilespmem:$0x1C280] =	vst v63  }
0x2ea: {  	_ = 	snop  }
0x2eb: {  	[hbm4b:s7+s3] =	stream.indirect_vreg.scatter [tilespmem:s22], [sflag:$0x4], $0x80, v4, vm1, $0xb8;
	[tilespmem:$0x1C280] =	vst v63  }
0x2ec: {  	_ = 	snop  }
0x2ed: {  	[hbm4b:s4+s3] =	stream.indirect_vreg.scatter [tilespmem:s23], [sflag:$0x4], $0x80, v3, vm1, $0xb8;
	[tilespmem:$0x1C280] =	vst v63  }
0x2ee: {  	_ = 	snop  }
0x2ef: {  	[hbm4b:s5+s3] =	stream.indirect_vreg.scatter [tilespmem:s24], [sflag:$0x4], $0x80, v3, vm1, $0xb8;
	[tilespmem:$0x1C280] =	vst v63  }
0x2f0: {  	_ = 	snop  }
0x2f1: {  	[hbm4b:s6+s3] =	stream.indirect_vreg.scatter [tilespmem:s26], [sflag:$0x4], $0x80, v3, vm1, $0xb8;
	[tilespmem:$0x1C280] =	vst v63  }
0x2f2: {  	s28 =	simm.s32 $0x19A00  }
0x2f3: {  	[hbm4b:s7+s3] =	stream.indirect_vreg.scatter [tilespmem:s28], [sflag:$0x4], $0x80, v3, vm1, $0xb8;
	[tilespmem:$0x1C280] =	vst v63  }
0x2f4: {  	v3 =	vld.msk [tilespmem:$0x1B0], $0xff;
	_ =	sdelay $0x4  }
0x2f5: {  	v59 =	vshll.u32 v3, $0x3  }
0x2f6: {  	v3 =	vand.u32 $0x7, v3;
	v4 =	vand.u32 $0xFFFFFFC0, v59  }
0x2f7: {  	v3 =	vor.u32 v3, v4  }
0x2f8: {  	v3 =	vperm.xlane v3, v0;
	_ =	sdelay $0x1  }
0x2f9: {  	v3 =	vadd.s32 v1, v3;
	_ =	sdelay $0x4  }
0x2fa: {  	[hbm4b:s4+s3] =	stream.indirect_vreg.scatter [tilespmem:s29], [sflag:$0x4], $0x80, v3, vm1, $0xb8;
	[tilespmem:$0x1C280] =	vst v63  }
0x2fb: {  	_ = 	snop  }
0x2fc: {  	[hbm4b:s5+s3] =	stream.indirect_vreg.scatter [tilespmem:s30], [sflag:$0x4], $0x80, v3, vm1, $0xb8;
	[tilespmem:$0x1C280] =	vst v63  }
0x2fd: {  	_ = 	snop  }
0x2fe: {  	[hbm4b:s6+s3] =	stream.indirect_vreg.scatter [tilespmem:s31], [sflag:$0x4], $0x80, v3, vm1, $0xb8;
	[tilespmem:$0x1C280] =	vst v63  }
0x2ff: {  	s2 =	simm.s32 $0x1BA00  }
0x300: {  	[hbm4b:s7+s3] =	stream.indirect_vreg.scatter [tilespmem:s2], [sflag:$0x4], $0x80, v3, vm1, $0xb8;
	[tilespmem:$0x1C280] =	vst v63  }
0x301: {  	v3 =	vld [tilespmem:$0x0];
	_ =	sdelay $0x4  }
0x302: {  	v60 =	vshll.u32 v3, $0x3  }
0x303: {  	v3 =	vand.u32 $0x7, v3;
	v4 =	vand.u32 $0xFFFFFFC0, v60  }
0x304: {  	v3 =	vor.u32 v3, v4  }
0x305: {  	v4 =	vperm.xlane v3, v0;
	_ =	sdelay $0x1  }
0x306: {  	v4 =	vadd.s32 v1, v4;
	_ =	sdelay $0x3  }
0x307: {  	s11 =	simm.s32 $0x200  }
0x308: {  	[tilespmem:s11], [sflag:$0x1] =	stream.indirect_vreg.gather [hbm4b:s1+s3], $0x80, v4, vm1, $0xb8;
	[tilespmem:$0x1C280] =	vst v63  }
0x309: {  	s13 =	simm.s32 $0xA00;
	v3 =	vperm.xlane v3, v2  }
0x30a: {  	[tilespmem:s13], [sflag:$0x1] =	stream.indirect_vreg.gather [hbm4b:s8+s3], $0x80, v4, vm1, $0xb8;
	[tilespmem:$0x1C280] =	vst v63  }
0x30b: {  	s14 =	simm.s32 $0x1200;
	v3 =	vadd.s32 v1, v3  }
0x30c: {  	[tilespmem:s14], [sflag:$0x1] =	stream.indirect_vreg.gather [hbm4b:s9+s3], $0x80, v4, vm1, $0xb8;
	[tilespmem:$0x1C280] =	vst v63  }
0x30d: {  	s22 =	simm.s32 $0x1A00  }
0x30e: {  	[tilespmem:s22], [sflag:$0x1] =	stream.indirect_vreg.gather [hbm4b:s10+s3], $0x80, v4, vm1, $0xb8;
	[tilespmem:$0x1C280] =	vst v63  }
0x30f: {  	s23 =	simm.s32 $0x2200  }
0x310: {  	[tilespmem:s23], [sflag:$0x1] =	stream.indirect_vreg.gather [hbm4b:s1+s3], $0x80, v3, vm1, $0xb8;
	[tilespmem:$0x1C280] =	vst v63  }
0x311: {  	s19 =	simm.s32 $0x2A00  }
0x312: {  	[tilespmem:s19], [sflag:$0x1] =	stream.indirect_vreg.gather [hbm4b:s8+s3], $0x80, v3, vm1, $0xb8;
	[tilespmem:$0x1C280] =	vst v63  }
0x313: {  	s20 =	simm.s32 $0x3200  }
0x314: {  	[tilespmem:s20], [sflag:$0x1] =	stream.indirect_vreg.gather [hbm4b:s9+s3], $0x80, v3, vm1, $0xb8;
	[tilespmem:$0x1C280] =	vst v63  }
0x315: {  	s21 =	simm.s32 $0x3A00  }
0x316: {  	[tilespmem:s21], [sflag:$0x1] =	stream.indirect_vreg.gather [hbm4b:s10+s3], $0x80, v3, vm1, $0xb8;
	[tilespmem:$0x1C280] =	vst v63  }
0x317: {  	v3 =	vld [tilespmem:$0x10];
	_ =	sdelay $0x4  }
0x318: {  	v61 =	vshll.u32 v3, $0x3  }
0x319: {  	v3 =	vand.u32 $0x7, v3;
	v4 =	vand.u32 $0xFFFFFFC0, v61  }
0x31a: {  	v3 =	vor.u32 v3, v4  }
0x31b: {  	v4 =	vperm.xlane v3, v0;
	_ =	sdelay $0x1  }
0x31c: {  	v4 =	vadd.s32 v1, v4;
	_ =	sdelay $0x3  }
0x31d: {  	s24 =	simm.s32 $0x4200  }
0x31e: {  	[tilespmem:s24], [sflag:$0x1] =	stream.indirect_vreg.gather [hbm4b:s1+s3], $0x80, v4, vm1, $0xb8;
	[tilespmem:$0x1C280] =	vst v63  }
0x31f: {  	s25 =	simm.s32 $0x4A00;
	v3 =	vperm.xlane v3, v2  }
0x320: {  	[tilespmem:s25], [sflag:$0x1] =	stream.indirect_vreg.gather [hbm4b:s8+s3], $0x80, v4, vm1, $0xb8;
	[tilespmem:$0x1C280] =	vst v63  }
0x321: {  	s26 =	simm.s32 $0x5200;
	v3 =	vadd.s32 v1, v3  }
0x322: {  	[tilespmem:s26], [sflag:$0x1] =	stream.indirect_vreg.gather [hbm4b:s9+s3], $0x80, v4, vm1, $0xb8;
	[tilespmem:$0x1C280] =	vst v63  }
0x323: {  	s15 =	simm.s32 $0x5A00  }
0x324: {  	[tilespmem:s15], [sflag:$0x1] =	stream.indirect_vreg.gather [hbm4b:s10+s3], $0x80, v4, vm1, $0xb8;
	[tilespmem:$0x1C280] =	vst v63  }
0x325: {  	s16 =	simm.s32 $0x6200  }
0x326: {  	[tilespmem:s16], [sflag:$0x1] =	stream.indirect_vreg.gather [hbm4b:s1+s3], $0x80, v3, vm1, $0xb8;
	[tilespmem:$0x1C280] =	vst v63  }
0x327: {  	s29 =	simm.s32 $0x6A00  }
0x328: {  	[tilespmem:s29], [sflag:$0x1] =	stream.indirect_vreg.gather [hbm4b:s8+s3], $0x80, v3, vm1, $0xb8;
	[tilespmem:$0x1C280] =	vst v63  }
0x329: {  	s30 =	simm.s32 $0x7200  }
0x32a: {  	[tilespmem:s30], [sflag:$0x1] =	stream.indirect_vreg.gather [hbm4b:s9+s3], $0x80, v3, vm1, $0xb8;
	[tilespmem:$0x1C280] =	vst v63  }
0x32b: {  	s31 =	simm.s32 $0x7A00;
	s2 =	simm.s32 $0x1  }
0x32c: {  	[tilespmem:s31], [sflag:$0x1] =	stream.indirect_vreg.gather [hbm4b:s10+s3], $0x80, v3, vm1, $0xb8;
	[tilespmem:$0x1C280] =	vst v63  }
0x32d: {  	_ =	swait.ge [sflag:s2], $0x8000  }
0x32e: {  	[sflag:s2] =	ssyncset.done $0x0  }
0x32f: {  	[sflag:s2] =	ssyncadd.s32 $0xFFFF8000  }
0x330: {  	v3 =	vld [tilespmem:$0x100];
	_ =	sdelay $0x4  }
0x331: {  	v62 =	vshll.u32 v3, $0x3  }
0x332: {  	v3 =	vand.u32 $0x7, v3;
	v4 =	vand.u32 $0xFFFFFFC0, v62  }
0x333: {  	v3 =	vor.u32 v3, v4  }
0x334: {  	v4 =	vperm.xlane v3, v0;
	_ =	sdelay $0x1  }
0x335: {  	v4 =	vadd.s32 v1, v4;
	_ =	sdelay $0x4  }
0x336: {  	[hbm4b:s4+s3] =	stream.indirect_vreg.scatter [tilespmem:s11], [sflag:$0x3], $0x80, v4, vm1, $0xb8;
	[tilespmem:$0x1C280] =	vst v63  }
0x337: {  	v3 =	vperm.xlane v3, v2  }
0x338: {  	[hbm4b:s5+s3] =	stream.indirect_vreg.scatter [tilespmem:s13], [sflag:$0x3], $0x80, v4, vm1, $0xb8;
	[tilespmem:$0x1C280] =	vst v63  }
0x339: {  	v3 =	vadd.s32 v1, v3  }
0x33a: {  	[hbm4b:s6+s3] =	stream.indirect_vreg.scatter [tilespmem:s14], [sflag:$0x3], $0x80, v4, vm1, $0xb8;
	[tilespmem:$0x1C280] =	vst v63  }
0x33b: {  	_ = 	snop  }
0x33c: {  	[hbm4b:s7+s3] =	stream.indirect_vreg.scatter [tilespmem:s22], [sflag:$0x3], $0x80, v4, vm1, $0xb8;
	[tilespmem:$0x1C280] =	vst v63  }
0x33d: {  	_ = 	snop  }
0x33e: {  	[hbm4b:s4+s3] =	stream.indirect_vreg.scatter [tilespmem:s23], [sflag:$0x3], $0x80, v3, vm1, $0xb8;
	[tilespmem:$0x1C280] =	vst v63  }
0x33f: {  	_ = 	snop  }
0x340: {  	[hbm4b:s5+s3] =	stream.indirect_vreg.scatter [tilespmem:s19], [sflag:$0x3], $0x80, v3, vm1, $0xb8;
	[tilespmem:$0x1C280] =	vst v63  }
0x341: {  	_ = 	snop  }
0x342: {  	[hbm4b:s6+s3] =	stream.indirect_vreg.scatter [tilespmem:s20], [sflag:$0x3], $0x80, v3, vm1, $0xb8;
	[tilespmem:$0x1C280] =	vst v63  }
0x343: {  	_ = 	snop  }
0x344: {  	[hbm4b:s7+s3] =	stream.indirect_vreg.scatter [tilespmem:s21], [sflag:$0x3], $0x80, v3, vm1, $0xb8;
	[tilespmem:$0x1C280] =	vst v63  }
0x345: {  	v3 =	vld [tilespmem:$0x110];
	_ =	sdelay $0x4  }
0x346: {  	v63 =	vshll.u32 v3, $0x3  }
0x347: {  	v3 =	vand.u32 $0x7, v3;
	v4 =	vand.u32 $0xFFFFFFC0, v63  }
0x348: {  	v3 =	vor.u32 v3, v4  }
0x349: {  	v4 =	vperm.xlane v3, v0;
	_ =	sdelay $0x1  }
0x34a: {  	v4 =	vadd.s32 v1, v4;
	_ =	sdelay $0x4  }
0x34b: {  	[hbm4b:s4+s3] =	stream.indirect_vreg.scatter [tilespmem:s24], [sflag:$0x3], $0x80, v4, vm1, $0xb8;
	[tilespmem:$0x1C280] =	vst v63  }
0x34c: {  	v3 =	vperm.xlane v3, v2  }
0x34d: {  	[hbm4b:s5+s3] =	stream.indirect_vreg.scatter [tilespmem:s25], [sflag:$0x3], $0x80, v4, vm1, $0xb8;
	[tilespmem:$0x1C280] =	vst v63  }
0x34e: {  	v3 =	vadd.s32 v1, v3  }
0x34f: {  	[hbm4b:s6+s3] =	stream.indirect_vreg.scatter [tilespmem:s26], [sflag:$0x3], $0x80, v4, vm1, $0xb8;
	[tilespmem:$0x1C280] =	vst v63  }
0x350: {  	_ = 	snop  }
0x351: {  	[hbm4b:s7+s3] =	stream.indirect_vreg.scatter [tilespmem:s15], [sflag:$0x3], $0x80, v4, vm1, $0xb8;
	[tilespmem:$0x1C280] =	vst v63  }
0x352: {  	_ = 	snop  }
0x353: {  	[hbm4b:s4+s3] =	stream.indirect_vreg.scatter [tilespmem:s16], [sflag:$0x3], $0x80, v3, vm1, $0xb8;
	[tilespmem:$0x1C280] =	vst v63  }
0x354: {  	_ = 	snop  }
0x355: {  	[hbm4b:s5+s3] =	stream.indirect_vreg.scatter [tilespmem:s29], [sflag:$0x3], $0x80, v3, vm1, $0xb8;
	[tilespmem:$0x1C280] =	vst v63  }
0x356: {  	_ = 	snop  }
0x357: {  	[hbm4b:s6+s3] =	stream.indirect_vreg.scatter [tilespmem:s30], [sflag:$0x3], $0x80, v3, vm1, $0xb8;
	[tilespmem:$0x1C280] =	vst v63  }
0x358: {  	s28 =	simm.s32 $0x3  }
0x359: {  	[hbm4b:s7+s3] =	stream.indirect_vreg.scatter [tilespmem:s31], [sflag:$0x3], $0x80, v3, vm1, $0xb8;
	[tilespmem:$0x1C280] =	vst v63  }
0x35a: {  	_ =	swait.ge [sflag:s28], $0x8000  }
0x35b: {  	s29 =	rddreg [dreg:$0x10]  }
0x35c: {  	s0 =	sadd.s32 $0xFFFFFFFF, s29  }
0x35d: {  	p1 =	sne.s32 s0, $0x0  }
.Ltmp0:
0x35e: {  	[sflag:s28] =	ssyncset.done $0x0;
	(pc) =	sbr.rel @p1 .LBB2_1-.Ltmp0, $4  }
0x35f: {  	s30 =	simm.s32 $0x4;
	[sflag:s28] =	ssyncadd.s32 $0xFFFF8000  }
0x360: {  	_ =	swait.ge [sflag:s30], $0xE000  }
0x361: {  	s31 =	simm.s32 $0x4;
	[sflag:s30] =	ssyncset.done $0x0  }
0x362: {  	[sflag:s31] =	ssyncadd.s32 $0xFFFF2000  }
0x363: {  	_ =	sfence.sel $0x180000  }
0x364: {  	[bflag:$0x0] =	sbarrier.arrive $0xFFFF  }
0x365: {  	_ =	strace $0x90000047  }
0x366: {  	s0 =	stileid.u32;
	[bflag:$0x2] =	sbarrier.arrive $0xFFFF  }
0x367: {  	p0 =	sne.s32 s0, $0x0;
	s0 =	rddreg [dreg:$0x3]  }
0x368: {  	s0 =	sadd.s32 @!p0 $0x100000, s0  }
0x369: {  	[sflag:s0] =	ssyncadd.tile.s32 @!p0 $0x1;
	_ =	shalt  }
.Lfunc_end2:
_tile_overlayer_lowered:
.L_overlay_start_2:
0x36a: {  	(tag) =	ssettag $0x2  }
0x36b: {  	s0 =	rddreg [dreg:$0x0];
	s2 =	stileid.u32  }
0x36c: {  	s1 =	rddreg [dreg:$0x1];
	p0 =	sne.s32 s2, $0x0  }
0x36d: {  	s3 =	rddreg [dreg:$0x2];
	[bflag:$0x3] =	sbarrier.arrive $0xFFFF;
	s2 =	simm.s32 @!p0 $0x1C05  }
0x36e: {  	[timem:s3], [sflag:s2] =	dma.local @!p0 [hbm:s0], s1  }
0x36f: {  	s0 =	simm.s32 @!p0 $0x5  }
0x370: {  	_ =	swait.ge @!p0 [sflag:s0], s1  }
0x371: {  	s1 =	ssub.s32 @!p0 $0x0, s1;
	[sflag:s0] =	ssyncset.done @!p0 $0x0  }
0x372: {  	[sflag:s0] =	ssyncadd.s32 @!p0 s1  }
0x373: {  	[bflag:$0x3] =	sbarrier.arrive $0xFFFF  }
0x374: {  	_ =	shalt  }

</sc_bundles>
